<compile_context>
chip_gen: v7x
topology: tpu7x:2x2x1
jax: 0.10.2.dev20260603
libtpu: 0.0.44.dev20260713+nightly
codegen_flags: <defaults>
</compile_context>

<pallas_src>
import functools

import jax
import jax.numpy as jnp
from jax import lax
from jax.experimental import pallas as pl
from jax.experimental.pallas import tpu as pltpu
from jax.experimental.pallas import tpu_sc as plsc

N = 10000
E = 160000
D = 256
H = 128
NT = 10112
TILES = 16
EPT = E // TILES
K = 128
CHUNKS = 80
PAD = CHUNKS * K - EPT
PASS = CHUNKS // 2
RPT = NT // TILES
LASTV = N - (TILES - 1) * RPT
R = 400
NRB = N // R

_mesh = plsc.VectorSubcoreMesh(core_axis_name="c", subcore_axis_name="s")


@functools.partial(
    pl.kernel,
    out_type=jax.ShapeDtypeStruct((N,), jnp.float32),
    mesh=_mesh,
    scratch_types=[
        pltpu.VMEM((CHUNKS, K), jnp.int32),
        pltpu.VMEM((K,), jnp.float32),
        pltpu.VMEM((640,), jnp.float32),
        pltpu.VMEM_SHARED((NT,), jnp.float32),
    ],
)
def _deg_kernel(col3_hbm, dinv_hbm, colv, onesv, degv, table):
    c = lax.axis_index("c")
    s = lax.axis_index("s")
    r0 = s * RPT

    def fill(i, carry):
        degv[pl.ds(i * 16, 16)] = jnp.zeros((16,), jnp.float32)
        return carry

    lax.fori_loop(0, 640 // 16, fill, 0)

    def ofill(i, carry):
        onesv[pl.ds(i * 16, 16)] = jnp.ones((16,), jnp.float32)
        return carry

    lax.fori_loop(0, K // 16, ofill, 0)
    pltpu.sync_copy(degv.at[pl.ds(0, RPT)], table.at[pl.ds(r0, RPT)])
    pltpu.sync_copy(col3_hbm.at[s], colv)
    plsc.subcore_barrier()

    def body(k, carry):
        pltpu.sync_copy(onesv, table.at[colv.at[k]], add=True)
        return carry

    lax.fori_loop(0, CHUNKS, body, 0)
    plsc.subcore_barrier()
    pltpu.sync_copy(table.at[pl.ds(r0, RPT)], degv.at[pl.ds(0, RPT)])

    def dbody(j, carry):
        d = degv[pl.ds(j * 16, 16)] + 1.0
        h = d * 0.5
        xv = d * 0.0 + 0.002
        for _ in range(22):
            xv = xv * (1.5 - h * xv * xv)
        degv[pl.ds(j * 16, 16)] = xv
        return carry

    lax.fori_loop(0, 640 // 16, dbody, 0)

    @pl.when(jnp.logical_and(c == 0, s < TILES - 1))
    def _():
        pltpu.sync_copy(degv.at[pl.ds(0, RPT)], dinv_hbm.at[pl.ds(r0, RPT)])

    @pl.when(jnp.logical_and(c == 0, s == TILES - 1))
    def _():
        pltpu.sync_copy(degv.at[pl.ds(0, LASTV)], dinv_hbm.at[pl.ds(r0, LASTV)])


def _mm_body(x_ref, w_ref, d_ref, y3_ref):
    xw = lax.dot_general(
        x_ref[...], w_ref[...], (((1,), (1,)), ((), ())),
        preferred_element_type=jnp.float32,
    )
    y3_ref[0] = xw * d_ref[...]


def _mm_call(x, W, dinv1):
    return pl.pallas_call(
        _mm_body,
        grid=(NRB, 2),
        in_specs=[
            pl.BlockSpec((R, D), lambda i, c: (i, 0)),
            pl.BlockSpec((H, D), lambda i, c: (c, 0)),
            pl.BlockSpec((R, 1), lambda i, c: (i, 0)),
        ],
        out_specs=pl.BlockSpec((1, R, H), lambda i, c: (c, i, 0)),
        out_shape=jax.ShapeDtypeStruct((2, N, H), jnp.float32),
    )(x, W, dinv1)


@functools.partial(
    pl.kernel,
    out_type=jax.ShapeDtypeStruct((2, N, H), jnp.float32),
    mesh=_mesh,
    scratch_types=[
        pltpu.VMEM((PASS, K), jnp.int32),
        pltpu.VMEM((PASS, K), jnp.int32),
        pltpu.VMEM((K, H), jnp.float32),
        pltpu.VMEM((K, H), jnp.float32),
        pltpu.VMEM_SHARED((NT, H), jnp.float32),
        pltpu.SemaphoreType.DMA,
        pltpu.SemaphoreType.DMA,
    ],
)
def _agg_kernel(g3_hbm, col3_hbm, y3_hbm, out_hbm,
                gixv, colv, bufa, bufb, acc, sema, semb):
    c = lax.axis_index("c")
    s = lax.axis_index("s")
    r0 = s * RPT
    yc = y3_hbm.at[c]

    @pl.when(s < TILES - 1)
    def _():
        pltpu.sync_copy(yc.at[pl.ds(r0, RPT)], acc.at[pl.ds(r0, RPT)])

    @pl.when(s == TILES - 1)
    def _():
        pltpu.sync_copy(yc.at[pl.ds(r0, LASTV)], acc.at[pl.ds(r0, LASTV)])

    for p in range(2):
        base = p * PASS
        pltpu.sync_copy(g3_hbm.at[s, pl.ds(base, PASS)], gixv)
        pltpu.sync_copy(col3_hbm.at[s, pl.ds(base, PASS)], colv)
        pltpu.async_copy(yc.at[gixv.at[0]], bufa, sema)
        pltpu.async_copy(yc.at[gixv.at[1]], bufb, semb)
        if p == 0:
            plsc.subcore_barrier()

        def body(k2, carry):
            k = k2 * 2
            pltpu.make_async_copy(yc.at[gixv.at[k]], bufa, sema).wait()
            pltpu.sync_copy(bufa, acc.at[colv.at[k]], add=True)

            @pl.when(k + 2 < PASS)
            def _():
                pltpu.async_copy(yc.at[gixv.at[k + 2]], bufa, sema)

            pltpu.make_async_copy(yc.at[gixv.at[k + 1]], bufb, semb).wait()
            pltpu.sync_copy(bufb, acc.at[colv.at[k + 1]], add=True)

            @pl.when(k + 3 < PASS)
            def _():
                pltpu.async_copy(yc.at[gixv.at[k + 3]], bufb, semb)

            return carry

        lax.fori_loop(0, PASS // 2, body, 0)

    plsc.subcore_barrier()

    @pl.when(s < TILES - 1)
    def _():
        pltpu.sync_copy(acc.at[pl.ds(r0, RPT)], out_hbm.at[c, pl.ds(r0, RPT)])

    @pl.when(s == TILES - 1)
    def _():
        pltpu.sync_copy(acc.at[pl.ds(r0, LASTV)], out_hbm.at[c, pl.ds(r0, LASTV)])


def _fin_body(al_ref, ar_ref, dinv_ref, b_ref, out_ref):
    acc = jnp.concatenate([al_ref[0], ar_ref[0]], axis=1)
    out_ref[...] = acc * dinv_ref[...] + b_ref[...]


def _fin_call(acc, dinv, b2):
    return pl.pallas_call(
        _fin_body,
        grid=(NRB,),
        in_specs=[
            pl.BlockSpec((1, R, H), lambda i: (0, i, 0)),
            pl.BlockSpec((1, R, H), lambda i: (1, i, 0)),
            pl.BlockSpec((R, 1), lambda i: (i, 0)),
            pl.BlockSpec((1, D), lambda i: (0, 0)),
        ],
        out_specs=pl.BlockSpec((R, D), lambda i: (i, 0)),
        out_shape=jax.ShapeDtypeStruct((N, D), jnp.float32),
    )(acc, acc, dinv, b2)


def kernel(x, edge_index, W, b):
    row = edge_index[0]
    col = edge_index[1]
    g = jnp.pad(row.reshape(TILES, EPT), ((0, 0), (0, PAD)),
                constant_values=0).reshape(TILES, CHUNKS, K)
    col3 = jnp.pad(col.reshape(TILES, EPT), ((0, 0), (0, PAD)),
                   constant_values=N).reshape(TILES, CHUNKS, K)
    dinv1 = _deg_kernel(col3).reshape(N, 1)
    y3 = _mm_call(x, W, dinv1)
    acc = _agg_kernel(g, col3, y3)
    return _fin_call(acc, dinv1, b.reshape(1, D))

# --- scband reference (transcript-rebuilt; emitter-appended) ---
"""Pipeline reference for scband-drew-gcnconv-53609781789203 (READ-ONLY COPY).

The authoritative reference and input builder live on the scoring server;
editing this copy changes nothing except your own understanding.
"""

import jax, jax.numpy as jnp
import numpy as np

N = 10000
E = 160000
D_IN = 256
D_OUT = 256


def setup_inputs(seed: int = 0) -> dict:
    key = jax.random.key(seed)
    k1, k2, k3 = jax.random.split(key, 3)
    x = jax.random.normal(k1, (N, D_IN), dtype=jnp.float32)
    # int32 so the module runs cleanly without jax x64 mode; values in [0, N)
    edge_index = jax.random.randint(k2, (2, E), 0, N, dtype=jnp.int32)
    # GCNConv linear weight, glorot-uniform, shape [out, in] (torch convention)
    limit = float(np.sqrt(6.0 / (D_IN + D_OUT)))
    W = jax.random.uniform(k3, (D_OUT, D_IN), minval=-limit, maxval=limit, dtype=jnp.float32)
    b = jnp.zeros((D_OUT,), dtype=jnp.float32)
    return {"x": x, "edge_index": edge_index, "W": W, "b": b}


def reference(x, edge_index, W, b):
    # Faithful PyG GCNConv: add self-loops, symmetric normalization,
    # out = D^{-1/2} (A + I) D^{-1/2} X W^T + b
    n = x.shape[0]
    loops = jnp.arange(n, dtype=edge_index.dtype)
    row = jnp.concatenate([edge_index[0], loops])  # src
    col = jnp.concatenate([edge_index[1], loops])  # dst
    ones = jnp.ones(row.shape[0], dtype=x.dtype)
    deg = jax.ops.segment_sum(ones, col, num_segments=n)  # in-degree incl. self-loop
    dinv = jnp.where(deg > 0, deg ** -0.5, 0.0)
    norm = dinv[row] * dinv[col]
    xw = x @ W.T
    msg = xw[row] * norm[:, None]
    out = jax.ops.segment_sum(msg, col, num_segments=n)
    out = out + b
    return out

if __name__ == "__main__":
    import jax
    _d = setup_inputs()
    print(jax.jit(kernel)(*tuple(_d.values())))

</pallas_src>

<mosaic_0001>
#map = affine_map<(d0, d1) -> (0, 0, 0)>
module attributes {stable_mosaic.version = 14 : i64} {
  func.func @_agg_kernel(%arg0: i32, %arg1: i32, %arg2: memref<16x80x128xi32, #tpu.memory_space<hbm>>, %arg3: memref<16x80x128xi32, #tpu.memory_space<hbm>>, %arg4: memref<2x10000x128xf32, #tpu.memory_space<hbm>>, %arg5: memref<2x10000x128xf32, #tpu.memory_space<hbm>>, %arg6: memref<40x128xi32, #tpu.memory_space<vmem>>, %arg7: memref<40x128xi32, #tpu.memory_space<vmem>>, %arg8: memref<128x128xf32, #tpu.memory_space<vmem>>, %arg9: memref<128x128xf32, #tpu.memory_space<vmem>>, %arg10: memref<10112x128xf32, #tpu.memory_space<vmem_shared>>, %arg11: memref<!tpu.dma_semaphore, #tpu.memory_space<semaphore_mem>>, %arg12: memref<!tpu.dma_semaphore, #tpu.memory_space<semaphore_mem>>) attributes {dimension_semantics = [#tpu.dimension_semantics<core_parallel>, #tpu.dimension_semantics<subcore_parallel>], iteration_bounds = array<i64: 2, 16>, scalar_prefetch = 0 : i64, scratch_operands = 7 : i64, tpu.core_type = #tpu.core_type<sc_vector_subcore>, window_params = [{transform_indices = #map}, {transform_indices = #map}, {transform_indices = #map}, {transform_indices = #map}]} {
    %mul3A = arith.constant 632 : i32
    %mul3A_0 = arith.muli %arg1, %mul3A : i32
    %lt3A = arith.constant 15 : i32
    %lt3A_1 = arith.cmpi slt, %arg1, %lt3A : i32
    %convert_element_type3A = arith.extui %lt3A_1 : i1 to i32
    %cond3A = arith.constant 0 : i32
    %cond3A_2 = arith.cmpi ne, %convert_element_type3A, %cond3A : i32
    scf.if %cond3A_2 {
      "tpu.region"() ({
        %run_scoped3A = tpu.sem_alloc : memref<!tpu.dma_semaphore, #tpu.memory_space<semaphore_mem>>
        %dma_start3A_72 = arith.constant 0 : i32
        %dma_start3A_73 = tpu.memref_slice %arg10[%mul3A_0, %dma_start3A_72] : memref<10112x128xf32, #tpu.memory_space<vmem_shared>> -> memref<632x128xf32, #tpu.memory_space<vmem_shared>>
        %dma_start3A_74 = arith.constant 0 : i32
        %dma_start3A_75 = arith.constant 0 : i32
        %dma_start3A_76 = tpu.memref_slice %arg4[%arg0, %dma_start3A_74, %dma_start3A_75] : memref<2x10000x128xf32, #tpu.memory_space<hbm>> -> memref<1x10000x128xf32, #tpu.memory_space<hbm>>
        %dma_start3A_77 = tpu.memref_squeeze %dma_start3A_76 : memref<1x10000x128xf32, #tpu.memory_space<hbm>> -> memref<10000x128xf32, #tpu.memory_space<hbm>>
        %dma_start3A_78 = arith.constant 0 : i32
        %dma_start3A_79 = tpu.memref_slice %dma_start3A_77[%mul3A_0, %dma_start3A_78] : memref<10000x128xf32, #tpu.memory_space<hbm>> -> memref<632x128xf32, #tpu.memory_space<hbm>>
        tpu.enqueue_dma source(%dma_start3A_79 : memref<632x128xf32, #tpu.memory_space<hbm>>) target(%dma_start3A_73 : memref<632x128xf32, #tpu.memory_space<vmem_shared>>) target_semaphore(%run_scoped3A : memref<!tpu.dma_semaphore, #tpu.memory_space<semaphore_mem>>)
        %dma_wait3A = arith.constant 0 : i32
        %dma_wait3A_80 = tpu.memref_slice %arg10[%mul3A_0, %dma_wait3A] : memref<10112x128xf32, #tpu.memory_space<vmem_shared>> -> memref<632x128xf32, #tpu.memory_space<vmem_shared>>
        %dma_wait3A_81 = arith.constant 0 : i32
        %dma_wait3A_82 = arith.constant 0 : i32
        %dma_wait3A_83 = tpu.memref_slice %arg4[%arg0, %dma_wait3A_81, %dma_wait3A_82] : memref<2x10000x128xf32, #tpu.memory_space<hbm>> -> memref<1x10000x128xf32, #tpu.memory_space<hbm>>
        %dma_wait3A_84 = tpu.memref_squeeze %dma_wait3A_83 : memref<1x10000x128xf32, #tpu.memory_space<hbm>> -> memref<10000x128xf32, #tpu.memory_space<hbm>>
        %dma_wait3A_85 = arith.constant 0 : i32
        %dma_wait3A_86 = tpu.memref_slice %dma_wait3A_84[%mul3A_0, %dma_wait3A_85] : memref<10000x128xf32, #tpu.memory_space<hbm>> -> memref<632x128xf32, #tpu.memory_space<hbm>>
        tpu.wait_dma2 semaphore(%run_scoped3A : memref<!tpu.dma_semaphore, #tpu.memory_space<semaphore_mem>>) src(%dma_wait3A_86 : memref<632x128xf32, #tpu.memory_space<hbm>>) dst(%dma_wait3A_80 : memref<632x128xf32, #tpu.memory_space<vmem_shared>>)
        tpu.yield
      }) : () -> ()
    } else {
    }
    %eq3A = arith.constant 15 : i32
    %eq3A_3 = arith.cmpi eq, %arg1, %eq3A : i32
    %convert_element_type3A_4 = arith.extui %eq3A_3 : i1 to i32
    %cond3A_5 = arith.constant 0 : i32
    %cond3A_6 = arith.cmpi ne, %convert_element_type3A_4, %cond3A_5 : i32
    scf.if %cond3A_6 {
      "tpu.region"() ({
        %run_scoped3A = tpu.sem_alloc : memref<!tpu.dma_semaphore, #tpu.memory_space<semaphore_mem>>
        %dma_start3A_72 = arith.constant 0 : i32
        %dma_start3A_73 = tpu.memref_slice %arg10[%mul3A_0, %dma_start3A_72] : memref<10112x128xf32, #tpu.memory_space<vmem_shared>> -> memref<520x128xf32, #tpu.memory_space<vmem_shared>>
        %dma_start3A_74 = arith.constant 0 : i32
        %dma_start3A_75 = arith.constant 0 : i32
        %dma_start3A_76 = tpu.memref_slice %arg4[%arg0, %dma_start3A_74, %dma_start3A_75] : memref<2x10000x128xf32, #tpu.memory_space<hbm>> -> memref<1x10000x128xf32, #tpu.memory_space<hbm>>
        %dma_start3A_77 = tpu.memref_squeeze %dma_start3A_76 : memref<1x10000x128xf32, #tpu.memory_space<hbm>> -> memref<10000x128xf32, #tpu.memory_space<hbm>>
        %dma_start3A_78 = arith.constant 0 : i32
        %dma_start3A_79 = tpu.memref_slice %dma_start3A_77[%mul3A_0, %dma_start3A_78] : memref<10000x128xf32, #tpu.memory_space<hbm>> -> memref<520x128xf32, #tpu.memory_space<hbm>>
        tpu.enqueue_dma source(%dma_start3A_79 : memref<520x128xf32, #tpu.memory_space<hbm>>) target(%dma_start3A_73 : memref<520x128xf32, #tpu.memory_space<vmem_shared>>) target_semaphore(%run_scoped3A : memref<!tpu.dma_semaphore, #tpu.memory_space<semaphore_mem>>)
        %dma_wait3A = arith.constant 0 : i32
        %dma_wait3A_80 = tpu.memref_slice %arg10[%mul3A_0, %dma_wait3A] : memref<10112x128xf32, #tpu.memory_space<vmem_shared>> -> memref<520x128xf32, #tpu.memory_space<vmem_shared>>
        %dma_wait3A_81 = arith.constant 0 : i32
        %dma_wait3A_82 = arith.constant 0 : i32
        %dma_wait3A_83 = tpu.memref_slice %arg4[%arg0, %dma_wait3A_81, %dma_wait3A_82] : memref<2x10000x128xf32, #tpu.memory_space<hbm>> -> memref<1x10000x128xf32, #tpu.memory_space<hbm>>
        %dma_wait3A_84 = tpu.memref_squeeze %dma_wait3A_83 : memref<1x10000x128xf32, #tpu.memory_space<hbm>> -> memref<10000x128xf32, #tpu.memory_space<hbm>>
        %dma_wait3A_85 = arith.constant 0 : i32
        %dma_wait3A_86 = tpu.memref_slice %dma_wait3A_84[%mul3A_0, %dma_wait3A_85] : memref<10000x128xf32, #tpu.memory_space<hbm>> -> memref<520x128xf32, #tpu.memory_space<hbm>>
        tpu.wait_dma2 semaphore(%run_scoped3A : memref<!tpu.dma_semaphore, #tpu.memory_space<semaphore_mem>>) src(%dma_wait3A_86 : memref<520x128xf32, #tpu.memory_space<hbm>>) dst(%dma_wait3A_80 : memref<520x128xf32, #tpu.memory_space<vmem_shared>>)
        tpu.yield
      }) : () -> ()
    } else {
    }
    "tpu.region"() ({
      %run_scoped3A = tpu.sem_alloc : memref<!tpu.dma_semaphore, #tpu.memory_space<semaphore_mem>>
      %dma_start3A_72 = arith.constant 0 : i32
      %dma_start3A_73 = arith.constant 0 : i32
      %dma_start3A_74 = tpu.memref_slice %arg2[%arg1, %dma_start3A_72, %dma_start3A_73] : memref<16x80x128xi32, #tpu.memory_space<hbm>> -> memref<1x40x128xi32, #tpu.memory_space<hbm>>
      %dma_start3A_75 = tpu.memref_squeeze %dma_start3A_74 : memref<1x40x128xi32, #tpu.memory_space<hbm>> -> memref<40x128xi32, #tpu.memory_space<hbm>>
      %dma_start3A_76 = arith.constant 0 : i32
      %dma_start3A_77 = arith.constant 0 : i32
      %dma_start3A_78 = tpu.memref_slice %arg2[%arg1, %dma_start3A_76, %dma_start3A_77] : memref<16x80x128xi32, #tpu.memory_space<hbm>> -> memref<1x40x128xi32, #tpu.memory_space<hbm>>
      %dma_start3A_79 = tpu.memref_squeeze %dma_start3A_78 : memref<1x40x128xi32, #tpu.memory_space<hbm>> -> memref<40x128xi32, #tpu.memory_space<hbm>>
      tpu.enqueue_dma source(%dma_start3A_79 : memref<40x128xi32, #tpu.memory_space<hbm>>) target(%arg6 : memref<40x128xi32, #tpu.memory_space<vmem>>) target_semaphore(%run_scoped3A : memref<!tpu.dma_semaphore, #tpu.memory_space<semaphore_mem>>)
      %dma_wait3A = arith.constant 0 : i32
      %dma_wait3A_80 = arith.constant 0 : i32
      %dma_wait3A_81 = tpu.memref_slice %arg2[%arg1, %dma_wait3A, %dma_wait3A_80] : memref<16x80x128xi32, #tpu.memory_space<hbm>> -> memref<1x40x128xi32, #tpu.memory_space<hbm>>
      %dma_wait3A_82 = tpu.memref_squeeze %dma_wait3A_81 : memref<1x40x128xi32, #tpu.memory_space<hbm>> -> memref<40x128xi32, #tpu.memory_space<hbm>>
      %dma_wait3A_83 = arith.constant 0 : i32
      %dma_wait3A_84 = arith.constant 0 : i32
      %dma_wait3A_85 = tpu.memref_slice %arg2[%arg1, %dma_wait3A_83, %dma_wait3A_84] : memref<16x80x128xi32, #tpu.memory_space<hbm>> -> memref<1x40x128xi32, #tpu.memory_space<hbm>>
      %dma_wait3A_86 = tpu.memref_squeeze %dma_wait3A_85 : memref<1x40x128xi32, #tpu.memory_space<hbm>> -> memref<40x128xi32, #tpu.memory_space<hbm>>
      tpu.wait_dma2 semaphore(%run_scoped3A : memref<!tpu.dma_semaphore, #tpu.memory_space<semaphore_mem>>) src(%dma_wait3A_86 : memref<40x128xi32, #tpu.memory_space<hbm>>) dst(%arg6 : memref<40x128xi32, #tpu.memory_space<vmem>>)
      tpu.yield
    }) : () -> ()
    "tpu.region"() ({
      %run_scoped3A = tpu.sem_alloc : memref<!tpu.dma_semaphore, #tpu.memory_space<semaphore_mem>>
      %dma_start3A_72 = arith.constant 0 : i32
      %dma_start3A_73 = arith.constant 0 : i32
      %dma_start3A_74 = tpu.memref_slice %arg3[%arg1, %dma_start3A_72, %dma_start3A_73] : memref<16x80x128xi32, #tpu.memory_space<hbm>> -> memref<1x40x128xi32, #tpu.memory_space<hbm>>
      %dma_start3A_75 = tpu.memref_squeeze %dma_start3A_74 : memref<1x40x128xi32, #tpu.memory_space<hbm>> -> memref<40x128xi32, #tpu.memory_space<hbm>>
      %dma_start3A_76 = arith.constant 0 : i32
      %dma_start3A_77 = arith.constant 0 : i32
      %dma_start3A_78 = tpu.memref_slice %arg3[%arg1, %dma_start3A_76, %dma_start3A_77] : memref<16x80x128xi32, #tpu.memory_space<hbm>> -> memref<1x40x128xi32, #tpu.memory_space<hbm>>
      %dma_start3A_79 = tpu.memref_squeeze %dma_start3A_78 : memref<1x40x128xi32, #tpu.memory_space<hbm>> -> memref<40x128xi32, #tpu.memory_space<hbm>>
      tpu.enqueue_dma source(%dma_start3A_79 : memref<40x128xi32, #tpu.memory_space<hbm>>) target(%arg7 : memref<40x128xi32, #tpu.memory_space<vmem>>) target_semaphore(%run_scoped3A : memref<!tpu.dma_semaphore, #tpu.memory_space<semaphore_mem>>)
      %dma_wait3A = arith.constant 0 : i32
      %dma_wait3A_80 = arith.constant 0 : i32
      %dma_wait3A_81 = tpu.memref_slice %arg3[%arg1, %dma_wait3A, %dma_wait3A_80] : memref<16x80x128xi32, #tpu.memory_space<hbm>> -> memref<1x40x128xi32, #tpu.memory_space<hbm>>
      %dma_wait3A_82 = tpu.memref_squeeze %dma_wait3A_81 : memref<1x40x128xi32, #tpu.memory_space<hbm>> -> memref<40x128xi32, #tpu.memory_space<hbm>>
      %dma_wait3A_83 = arith.constant 0 : i32
      %dma_wait3A_84 = arith.constant 0 : i32
      %dma_wait3A_85 = tpu.memref_slice %arg3[%arg1, %dma_wait3A_83, %dma_wait3A_84] : memref<16x80x128xi32, #tpu.memory_space<hbm>> -> memref<1x40x128xi32, #tpu.memory_space<hbm>>
      %dma_wait3A_86 = tpu.memref_squeeze %dma_wait3A_85 : memref<1x40x128xi32, #tpu.memory_space<hbm>> -> memref<40x128xi32, #tpu.memory_space<hbm>>
      tpu.wait_dma2 semaphore(%run_scoped3A : memref<!tpu.dma_semaphore, #tpu.memory_space<semaphore_mem>>) src(%dma_wait3A_86 : memref<40x128xi32, #tpu.memory_space<hbm>>) dst(%arg7 : memref<40x128xi32, #tpu.memory_space<vmem>>)
      tpu.yield
    }) : () -> ()
    %dma_start3A = arith.constant 0 : i32
    %dma_start3A_7 = arith.constant 0 : i32
    %dma_start3A_8 = tpu.memref_slice %arg6[%dma_start3A, %dma_start3A_7] : memref<40x128xi32, #tpu.memory_space<vmem>> -> memref<1x128xi32, #tpu.memory_space<vmem>>
    %dma_start3A_9 = tpu.memref_squeeze %dma_start3A_8 : memref<1x128xi32, #tpu.memory_space<vmem>> -> memref<128xi32, #tpu.memory_space<vmem>>
    %dma_start3A_10 = arith.constant 0 : i32
    %dma_start3A_11 = arith.constant 0 : i32
    %dma_start3A_12 = tpu.memref_slice %arg4[%arg0, %dma_start3A_10, %dma_start3A_11] : memref<2x10000x128xf32, #tpu.memory_space<hbm>> -> memref<1x10000x128xf32, #tpu.memory_space<hbm>>
    %dma_start3A_13 = tpu.memref_squeeze %dma_start3A_12 : memref<1x10000x128xf32, #tpu.memory_space<hbm>> -> memref<10000x128xf32, #tpu.memory_space<hbm>>
    %dma_start3A_14 = arith.constant 0 : i32
    %dma_start3A_15 = arith.constant 0 : i32
    %dma_start3A_16 = tpu.memref_slice %dma_start3A_13[%dma_start3A_14, %dma_start3A_15] : memref<10000x128xf32, #tpu.memory_space<hbm>> -> memref<10000x128xf32, #tpu.memory_space<hbm>>
    tpu.enqueue_indirect_dma source(%dma_start3A_16 : memref<10000x128xf32, #tpu.memory_space<hbm>>) target(%arg8 : memref<128x128xf32, #tpu.memory_space<vmem>>) offsets(%dma_start3A_9 : memref<128xi32, #tpu.memory_space<vmem>>) semaphore(%arg11 : memref<!tpu.dma_semaphore, #tpu.memory_space<semaphore_mem>>)
    %dma_start3A_17 = arith.constant 1 : i32
    %dma_start3A_18 = arith.constant 0 : i32
    %dma_start3A_19 = tpu.memref_slice %arg6[%dma_start3A_17, %dma_start3A_18] : memref<40x128xi32, #tpu.memory_space<vmem>> -> memref<1x128xi32, #tpu.memory_space<vmem>>
    %dma_start3A_20 = tpu.memref_squeeze %dma_start3A_19 : memref<1x128xi32, #tpu.memory_space<vmem>> -> memref<128xi32, #tpu.memory_space<vmem>>
    %dma_start3A_21 = arith.constant 0 : i32
    %dma_start3A_22 = arith.constant 0 : i32
    %dma_start3A_23 = tpu.memref_slice %arg4[%arg0, %dma_start3A_21, %dma_start3A_22] : memref<2x10000x128xf32, #tpu.memory_space<hbm>> -> memref<1x10000x128xf32, #tpu.memory_space<hbm>>
    %dma_start3A_24 = tpu.memref_squeeze %dma_start3A_23 : memref<1x10000x128xf32, #tpu.memory_space<hbm>> -> memref<10000x128xf32, #tpu.memory_space<hbm>>
    %dma_start3A_25 = arith.constant 0 : i32
    %dma_start3A_26 = arith.constant 0 : i32
    %dma_start3A_27 = tpu.memref_slice %dma_start3A_24[%dma_start3A_25, %dma_start3A_26] : memref<10000x128xf32, #tpu.memory_space<hbm>> -> memref<10000x128xf32, #tpu.memory_space<hbm>>
    tpu.enqueue_indirect_dma source(%dma_start3A_27 : memref<10000x128xf32, #tpu.memory_space<hbm>>) target(%arg9 : memref<128x128xf32, #tpu.memory_space<vmem>>) offsets(%dma_start3A_20 : memref<128xi32, #tpu.memory_space<vmem>>) semaphore(%arg12 : memref<!tpu.dma_semaphore, #tpu.memory_space<semaphore_mem>>)
    %barrier3A = arith.constant 0 : index
    tpu.barrier barrier_id(%barrier3A)
    %scan3A = arith.constant 0 : i32
    %scan3A_28 = arith.constant 0 : i32
    %scan3A_29 = arith.constant 20 : i32
    %scan3A_30 = arith.addi %scan3A_28, %scan3A_29 : i32
    %scan3A_31 = arith.constant 1 : i32
    scf.for %scan3A_72 = %scan3A_28 to %scan3A_30 step %scan3A_31  : i32 {
      %mul3A_73 = arith.constant 2 : i32
      %mul3A_74 = arith.muli %scan3A_72, %mul3A_73 : i32
      %dma_wait3A = arith.constant 0 : i32
      %dma_wait3A_75 = tpu.memref_slice %arg6[%mul3A_74, %dma_wait3A] : memref<40x128xi32, #tpu.memory_space<vmem>> -> memref<1x128xi32, #tpu.memory_space<vmem>>
      %dma_wait3A_76 = tpu.memref_squeeze %dma_wait3A_75 : memref<1x128xi32, #tpu.memory_space<vmem>> -> memref<128xi32, #tpu.memory_space<vmem>>
      %dma_wait3A_77 = arith.constant 0 : i32
      %dma_wait3A_78 = arith.constant 0 : i32
      %dma_wait3A_79 = tpu.memref_slice %arg4[%arg0, %dma_wait3A_77, %dma_wait3A_78] : memref<2x10000x128xf32, #tpu.memory_space<hbm>> -> memref<1x10000x128xf32, #tpu.memory_space<hbm>>
      %dma_wait3A_80 = tpu.memref_squeeze %dma_wait3A_79 : memref<1x10000x128xf32, #tpu.memory_space<hbm>> -> memref<10000x128xf32, #tpu.memory_space<hbm>>
      %dma_wait3A_81 = arith.constant 0 : i32
      %dma_wait3A_82 = arith.constant 0 : i32
      %dma_wait3A_83 = tpu.memref_slice %dma_wait3A_80[%dma_wait3A_81, %dma_wait3A_82] : memref<10000x128xf32, #tpu.memory_space<hbm>> -> memref<10000x128xf32, #tpu.memory_space<hbm>>
      tpu.wait_indirect_dma semaphore(%arg11 : memref<!tpu.dma_semaphore, #tpu.memory_space<semaphore_mem>>) src(%dma_wait3A_83 : memref<10000x128xf32, #tpu.memory_space<hbm>>) dst(%arg8 : memref<128x128xf32, #tpu.memory_space<vmem>>)
      "tpu.region"() ({
        %run_scoped3A = tpu.sem_alloc : memref<!tpu.dma_semaphore, #tpu.memory_space<semaphore_mem>>
        %dma_start3A_111 = arith.constant 0 : i32
        %dma_start3A_112 = tpu.memref_slice %arg7[%mul3A_74, %dma_start3A_111] : memref<40x128xi32, #tpu.memory_space<vmem>> -> memref<1x128xi32, #tpu.memory_space<vmem>>
        %dma_start3A_113 = tpu.memref_squeeze %dma_start3A_112 : memref<1x128xi32, #tpu.memory_space<vmem>> -> memref<128xi32, #tpu.memory_space<vmem>>
        %dma_start3A_114 = arith.constant 0 : i32
        %dma_start3A_115 = arith.constant 0 : i32
        %dma_start3A_116 = tpu.memref_slice %arg10[%dma_start3A_114, %dma_start3A_115] : memref<10112x128xf32, #tpu.memory_space<vmem_shared>> -> memref<10112x128xf32, #tpu.memory_space<vmem_shared>>
        tpu.enqueue_indirect_dma source(%arg8 : memref<128x128xf32, #tpu.memory_space<vmem>>) target(%dma_start3A_116 : memref<10112x128xf32, #tpu.memory_space<vmem_shared>>) offsets(%dma_start3A_113 : memref<128xi32, #tpu.memory_space<vmem>>) semaphore(%run_scoped3A : memref<!tpu.dma_semaphore, #tpu.memory_space<semaphore_mem>>) {add = true}
        %dma_wait3A_117 = arith.constant 0 : i32
        %dma_wait3A_118 = tpu.memref_slice %arg7[%mul3A_74, %dma_wait3A_117] : memref<40x128xi32, #tpu.memory_space<vmem>> -> memref<1x128xi32, #tpu.memory_space<vmem>>
        %dma_wait3A_119 = tpu.memref_squeeze %dma_wait3A_118 : memref<1x128xi32, #tpu.memory_space<vmem>> -> memref<128xi32, #tpu.memory_space<vmem>>
        %dma_wait3A_120 = arith.constant 0 : i32
        %dma_wait3A_121 = arith.constant 0 : i32
        %dma_wait3A_122 = tpu.memref_slice %arg10[%dma_wait3A_120, %dma_wait3A_121] : memref<10112x128xf32, #tpu.memory_space<vmem_shared>> -> memref<10112x128xf32, #tpu.memory_space<vmem_shared>>
        tpu.wait_indirect_dma semaphore(%run_scoped3A : memref<!tpu.dma_semaphore, #tpu.memory_space<semaphore_mem>>) src(%arg8 : memref<128x128xf32, #tpu.memory_space<vmem>>) dst(%dma_wait3A_122 : memref<10112x128xf32, #tpu.memory_space<vmem_shared>>)
        tpu.yield
      }) : () -> ()
      %add3A = arith.constant 2 : i32
      %add3A_84 = arith.addi %mul3A_74, %add3A : i32
      %lt3A_85 = arith.constant 40 : i32
      %lt3A_86 = arith.cmpi slt, %add3A_84, %lt3A_85 : i32
      %convert_element_type3A_87 = arith.extui %lt3A_86 : i1 to i32
      %cond3A_88 = arith.constant 0 : i32
      %cond3A_89 = arith.cmpi ne, %convert_element_type3A_87, %cond3A_88 : i32
      scf.if %cond3A_89 {
        %add3A_111 = arith.constant 2 : i32
        %add3A_112 = arith.addi %mul3A_74, %add3A_111 : i32
        %dma_start3A_113 = arith.constant 0 : i32
        %dma_start3A_114 = tpu.memref_slice %arg6[%add3A_112, %dma_start3A_113] : memref<40x128xi32, #tpu.memory_space<vmem>> -> memref<1x128xi32, #tpu.memory_space<vmem>>
        %dma_start3A_115 = tpu.memref_squeeze %dma_start3A_114 : memref<1x128xi32, #tpu.memory_space<vmem>> -> memref<128xi32, #tpu.memory_space<vmem>>
        %dma_start3A_116 = arith.constant 0 : i32
        %dma_start3A_117 = arith.constant 0 : i32
        %dma_start3A_118 = tpu.memref_slice %arg4[%arg0, %dma_start3A_116, %dma_start3A_117] : memref<2x10000x128xf32, #tpu.memory_space<hbm>> -> memref<1x10000x128xf32, #tpu.memory_space<hbm>>
        %dma_start3A_119 = tpu.memref_squeeze %dma_start3A_118 : memref<1x10000x128xf32, #tpu.memory_space<hbm>> -> memref<10000x128xf32, #tpu.memory_space<hbm>>
        %dma_start3A_120 = arith.constant 0 : i32
        %dma_start3A_121 = arith.constant 0 : i32
        %dma_start3A_122 = tpu.memref_slice %dma_start3A_119[%dma_start3A_120, %dma_start3A_121] : memref<10000x128xf32, #tpu.memory_space<hbm>> -> memref<10000x128xf32, #tpu.memory_space<hbm>>
        tpu.enqueue_indirect_dma source(%dma_start3A_122 : memref<10000x128xf32, #tpu.memory_space<hbm>>) target(%arg8 : memref<128x128xf32, #tpu.memory_space<vmem>>) offsets(%dma_start3A_115 : memref<128xi32, #tpu.memory_space<vmem>>) semaphore(%arg11 : memref<!tpu.dma_semaphore, #tpu.memory_space<semaphore_mem>>)
      } else {
      }
      %add3A_90 = arith.constant 1 : i32
      %add3A_91 = arith.addi %mul3A_74, %add3A_90 : i32
      %dma_wait3A_92 = arith.constant 0 : i32
      %dma_wait3A_93 = tpu.memref_slice %arg6[%add3A_91, %dma_wait3A_92] : memref<40x128xi32, #tpu.memory_space<vmem>> -> memref<1x128xi32, #tpu.memory_space<vmem>>
      %dma_wait3A_94 = tpu.memref_squeeze %dma_wait3A_93 : memref<1x128xi32, #tpu.memory_space<vmem>> -> memref<128xi32, #tpu.memory_space<vmem>>
      %dma_wait3A_95 = arith.constant 0 : i32
      %dma_wait3A_96 = arith.constant 0 : i32
      %dma_wait3A_97 = tpu.memref_slice %arg4[%arg0, %dma_wait3A_95, %dma_wait3A_96] : memref<2x10000x128xf32, #tpu.memory_space<hbm>> -> memref<1x10000x128xf32, #tpu.memory_space<hbm>>
      %dma_wait3A_98 = tpu.memref_squeeze %dma_wait3A_97 : memref<1x10000x128xf32, #tpu.memory_space<hbm>> -> memref<10000x128xf32, #tpu.memory_space<hbm>>
      %dma_wait3A_99 = arith.constant 0 : i32
      %dma_wait3A_100 = arith.constant 0 : i32
      %dma_wait3A_101 = tpu.memref_slice %dma_wait3A_98[%dma_wait3A_99, %dma_wait3A_100] : memref<10000x128xf32, #tpu.memory_space<hbm>> -> memref<10000x128xf32, #tpu.memory_space<hbm>>
      tpu.wait_indirect_dma semaphore(%arg12 : memref<!tpu.dma_semaphore, #tpu.memory_space<semaphore_mem>>) src(%dma_wait3A_101 : memref<10000x128xf32, #tpu.memory_space<hbm>>) dst(%arg9 : memref<128x128xf32, #tpu.memory_space<vmem>>)
      %add3A_102 = arith.constant 1 : i32
      %add3A_103 = arith.addi %mul3A_74, %add3A_102 : i32
      "tpu.region"() ({
        %run_scoped3A = tpu.sem_alloc : memref<!tpu.dma_semaphore, #tpu.memory_space<semaphore_mem>>
        %dma_start3A_111 = arith.constant 0 : i32
        %dma_start3A_112 = tpu.memref_slice %arg7[%add3A_103, %dma_start3A_111] : memref<40x128xi32, #tpu.memory_space<vmem>> -> memref<1x128xi32, #tpu.memory_space<vmem>>
        %dma_start3A_113 = tpu.memref_squeeze %dma_start3A_112 : memref<1x128xi32, #tpu.memory_space<vmem>> -> memref<128xi32, #tpu.memory_space<vmem>>
        %dma_start3A_114 = arith.constant 0 : i32
        %dma_start3A_115 = arith.constant 0 : i32
        %dma_start3A_116 = tpu.memref_slice %arg10[%dma_start3A_114, %dma_start3A_115] : memref<10112x128xf32, #tpu.memory_space<vmem_shared>> -> memref<10112x128xf32, #tpu.memory_space<vmem_shared>>
        tpu.enqueue_indirect_dma source(%arg9 : memref<128x128xf32, #tpu.memory_space<vmem>>) target(%dma_start3A_116 : memref<10112x128xf32, #tpu.memory_space<vmem_shared>>) offsets(%dma_start3A_113 : memref<128xi32, #tpu.memory_space<vmem>>) semaphore(%run_scoped3A : memref<!tpu.dma_semaphore, #tpu.memory_space<semaphore_mem>>) {add = true}
        %dma_wait3A_117 = arith.constant 0 : i32
        %dma_wait3A_118 = tpu.memref_slice %arg7[%add3A_103, %dma_wait3A_117] : memref<40x128xi32, #tpu.memory_space<vmem>> -> memref<1x128xi32, #tpu.memory_space<vmem>>
        %dma_wait3A_119 = tpu.memref_squeeze %dma_wait3A_118 : memref<1x128xi32, #tpu.memory_space<vmem>> -> memref<128xi32, #tpu.memory_space<vmem>>
        %dma_wait3A_120 = arith.constant 0 : i32
        %dma_wait3A_121 = arith.constant 0 : i32
        %dma_wait3A_122 = tpu.memref_slice %arg10[%dma_wait3A_120, %dma_wait3A_121] : memref<10112x128xf32, #tpu.memory_space<vmem_shared>> -> memref<10112x128xf32, #tpu.memory_space<vmem_shared>>
        tpu.wait_indirect_dma semaphore(%run_scoped3A : memref<!tpu.dma_semaphore, #tpu.memory_space<semaphore_mem>>) src(%arg9 : memref<128x128xf32, #tpu.memory_space<vmem>>) dst(%dma_wait3A_122 : memref<10112x128xf32, #tpu.memory_space<vmem_shared>>)
        tpu.yield
      }) : () -> ()
      %add3A_104 = arith.constant 3 : i32
      %add3A_105 = arith.addi %mul3A_74, %add3A_104 : i32
      %lt3A_106 = arith.constant 40 : i32
      %lt3A_107 = arith.cmpi slt, %add3A_105, %lt3A_106 : i32
      %convert_element_type3A_108 = arith.extui %lt3A_107 : i1 to i32
      %cond3A_109 = arith.constant 0 : i32
      %cond3A_110 = arith.cmpi ne, %convert_element_type3A_108, %cond3A_109 : i32
      scf.if %cond3A_110 {
        %add3A_111 = arith.constant 3 : i32
        %add3A_112 = arith.addi %mul3A_74, %add3A_111 : i32
        %dma_start3A_113 = arith.constant 0 : i32
        %dma_start3A_114 = tpu.memref_slice %arg6[%add3A_112, %dma_start3A_113] : memref<40x128xi32, #tpu.memory_space<vmem>> -> memref<1x128xi32, #tpu.memory_space<vmem>>
        %dma_start3A_115 = tpu.memref_squeeze %dma_start3A_114 : memref<1x128xi32, #tpu.memory_space<vmem>> -> memref<128xi32, #tpu.memory_space<vmem>>
        %dma_start3A_116 = arith.constant 0 : i32
        %dma_start3A_117 = arith.constant 0 : i32
        %dma_start3A_118 = tpu.memref_slice %arg4[%arg0, %dma_start3A_116, %dma_start3A_117] : memref<2x10000x128xf32, #tpu.memory_space<hbm>> -> memref<1x10000x128xf32, #tpu.memory_space<hbm>>
        %dma_start3A_119 = tpu.memref_squeeze %dma_start3A_118 : memref<1x10000x128xf32, #tpu.memory_space<hbm>> -> memref<10000x128xf32, #tpu.memory_space<hbm>>
        %dma_start3A_120 = arith.constant 0 : i32
        %dma_start3A_121 = arith.constant 0 : i32
        %dma_start3A_122 = tpu.memref_slice %dma_start3A_119[%dma_start3A_120, %dma_start3A_121] : memref<10000x128xf32, #tpu.memory_space<hbm>> -> memref<10000x128xf32, #tpu.memory_space<hbm>>
        tpu.enqueue_indirect_dma source(%dma_start3A_122 : memref<10000x128xf32, #tpu.memory_space<hbm>>) target(%arg9 : memref<128x128xf32, #tpu.memory_space<vmem>>) offsets(%dma_start3A_115 : memref<128xi32, #tpu.memory_space<vmem>>) semaphore(%arg12 : memref<!tpu.dma_semaphore, #tpu.memory_space<semaphore_mem>>)
      } else {
      }
    }
    %scan3A_32 = arith.constant 20 : i32
    "tpu.region"() ({
      %run_scoped3A = tpu.sem_alloc : memref<!tpu.dma_semaphore, #tpu.memory_space<semaphore_mem>>
      %dma_start3A_72 = arith.constant 40 : i32
      %dma_start3A_73 = arith.constant 0 : i32
      %dma_start3A_74 = tpu.memref_slice %arg2[%arg1, %dma_start3A_72, %dma_start3A_73] : memref<16x80x128xi32, #tpu.memory_space<hbm>> -> memref<1x40x128xi32, #tpu.memory_space<hbm>>
      %dma_start3A_75 = tpu.memref_squeeze %dma_start3A_74 : memref<1x40x128xi32, #tpu.memory_space<hbm>> -> memref<40x128xi32, #tpu.memory_space<hbm>>
      %dma_start3A_76 = arith.constant 40 : i32
      %dma_start3A_77 = arith.constant 0 : i32
      %dma_start3A_78 = tpu.memref_slice %arg2[%arg1, %dma_start3A_76, %dma_start3A_77] : memref<16x80x128xi32, #tpu.memory_space<hbm>> -> memref<1x40x128xi32, #tpu.memory_space<hbm>>
      %dma_start3A_79 = tpu.memref_squeeze %dma_start3A_78 : memref<1x40x128xi32, #tpu.memory_space<hbm>> -> memref<40x128xi32, #tpu.memory_space<hbm>>
      tpu.enqueue_dma source(%dma_start3A_79 : memref<40x128xi32, #tpu.memory_space<hbm>>) target(%arg6 : memref<40x128xi32, #tpu.memory_space<vmem>>) target_semaphore(%run_scoped3A : memref<!tpu.dma_semaphore, #tpu.memory_space<semaphore_mem>>)
      %dma_wait3A = arith.constant 40 : i32
      %dma_wait3A_80 = arith.constant 0 : i32
      %dma_wait3A_81 = tpu.memref_slice %arg2[%arg1, %dma_wait3A, %dma_wait3A_80] : memref<16x80x128xi32, #tpu.memory_space<hbm>> -> memref<1x40x128xi32, #tpu.memory_space<hbm>>
      %dma_wait3A_82 = tpu.memref_squeeze %dma_wait3A_81 : memref<1x40x128xi32, #tpu.memory_space<hbm>> -> memref<40x128xi32, #tpu.memory_space<hbm>>
      %dma_wait3A_83 = arith.constant 40 : i32
      %dma_wait3A_84 = arith.constant 0 : i32
      %dma_wait3A_85 = tpu.memref_slice %arg2[%arg1, %dma_wait3A_83, %dma_wait3A_84] : memref<16x80x128xi32, #tpu.memory_space<hbm>> -> memref<1x40x128xi32, #tpu.memory_space<hbm>>
      %dma_wait3A_86 = tpu.memref_squeeze %dma_wait3A_85 : memref<1x40x128xi32, #tpu.memory_space<hbm>> -> memref<40x128xi32, #tpu.memory_space<hbm>>
      tpu.wait_dma2 semaphore(%run_scoped3A : memref<!tpu.dma_semaphore, #tpu.memory_space<semaphore_mem>>) src(%dma_wait3A_86 : memref<40x128xi32, #tpu.memory_space<hbm>>) dst(%arg6 : memref<40x128xi32, #tpu.memory_space<vmem>>)
      tpu.yield
    }) : () -> ()
    "tpu.region"() ({
      %run_scoped3A = tpu.sem_alloc : memref<!tpu.dma_semaphore, #tpu.memory_space<semaphore_mem>>
      %dma_start3A_72 = arith.constant 40 : i32
      %dma_start3A_73 = arith.constant 0 : i32
      %dma_start3A_74 = tpu.memref_slice %arg3[%arg1, %dma_start3A_72, %dma_start3A_73] : memref<16x80x128xi32, #tpu.memory_space<hbm>> -> memref<1x40x128xi32, #tpu.memory_space<hbm>>
      %dma_start3A_75 = tpu.memref_squeeze %dma_start3A_74 : memref<1x40x128xi32, #tpu.memory_space<hbm>> -> memref<40x128xi32, #tpu.memory_space<hbm>>
      %dma_start3A_76 = arith.constant 40 : i32
      %dma_start3A_77 = arith.constant 0 : i32
      %dma_start3A_78 = tpu.memref_slice %arg3[%arg1, %dma_start3A_76, %dma_start3A_77] : memref<16x80x128xi32, #tpu.memory_space<hbm>> -> memref<1x40x128xi32, #tpu.memory_space<hbm>>
      %dma_start3A_79 = tpu.memref_squeeze %dma_start3A_78 : memref<1x40x128xi32, #tpu.memory_space<hbm>> -> memref<40x128xi32, #tpu.memory_space<hbm>>
      tpu.enqueue_dma source(%dma_start3A_79 : memref<40x128xi32, #tpu.memory_space<hbm>>) target(%arg7 : memref<40x128xi32, #tpu.memory_space<vmem>>) target_semaphore(%run_scoped3A : memref<!tpu.dma_semaphore, #tpu.memory_space<semaphore_mem>>)
      %dma_wait3A = arith.constant 40 : i32
      %dma_wait3A_80 = arith.constant 0 : i32
      %dma_wait3A_81 = tpu.memref_slice %arg3[%arg1, %dma_wait3A, %dma_wait3A_80] : memref<16x80x128xi32, #tpu.memory_space<hbm>> -> memref<1x40x128xi32, #tpu.memory_space<hbm>>
      %dma_wait3A_82 = tpu.memref_squeeze %dma_wait3A_81 : memref<1x40x128xi32, #tpu.memory_space<hbm>> -> memref<40x128xi32, #tpu.memory_space<hbm>>
      %dma_wait3A_83 = arith.constant 40 : i32
      %dma_wait3A_84 = arith.constant 0 : i32
      %dma_wait3A_85 = tpu.memref_slice %arg3[%arg1, %dma_wait3A_83, %dma_wait3A_84] : memref<16x80x128xi32, #tpu.memory_space<hbm>> -> memref<1x40x128xi32, #tpu.memory_space<hbm>>
      %dma_wait3A_86 = tpu.memref_squeeze %dma_wait3A_85 : memref<1x40x128xi32, #tpu.memory_space<hbm>> -> memref<40x128xi32, #tpu.memory_space<hbm>>
      tpu.wait_dma2 semaphore(%run_scoped3A : memref<!tpu.dma_semaphore, #tpu.memory_space<semaphore_mem>>) src(%dma_wait3A_86 : memref<40x128xi32, #tpu.memory_space<hbm>>) dst(%arg7 : memref<40x128xi32, #tpu.memory_space<vmem>>)
      tpu.yield
    }) : () -> ()
    %dma_start3A_33 = arith.constant 0 : i32
    %dma_start3A_34 = arith.constant 0 : i32
    %dma_start3A_35 = tpu.memref_slice %arg6[%dma_start3A_33, %dma_start3A_34] : memref<40x128xi32, #tpu.memory_space<vmem>> -> memref<1x128xi32, #tpu.memory_space<vmem>>
    %dma_start3A_36 = tpu.memref_squeeze %dma_start3A_35 : memref<1x128xi32, #tpu.memory_space<vmem>> -> memref<128xi32, #tpu.memory_space<vmem>>
    %dma_start3A_37 = arith.constant 0 : i32
    %dma_start3A_38 = arith.constant 0 : i32
    %dma_start3A_39 = tpu.memref_slice %arg4[%arg0, %dma_start3A_37, %dma_start3A_38] : memref<2x10000x128xf32, #tpu.memory_space<hbm>> -> memref<1x10000x128xf32, #tpu.memory_space<hbm>>
    %dma_start3A_40 = tpu.memref_squeeze %dma_start3A_39 : memref<1x10000x128xf32, #tpu.memory_space<hbm>> -> memref<10000x128xf32, #tpu.memory_space<hbm>>
    %dma_start3A_41 = arith.constant 0 : i32
    %dma_start3A_42 = arith.constant 0 : i32
    %dma_start3A_43 = tpu.memref_slice %dma_start3A_40[%dma_start3A_41, %dma_start3A_42] : memref<10000x128xf32, #tpu.memory_space<hbm>> -> memref<10000x128xf32, #tpu.memory_space<hbm>>
    tpu.enqueue_indirect_dma source(%dma_start3A_43 : memref<10000x128xf32, #tpu.memory_space<hbm>>) target(%arg8 : memref<128x128xf32, #tpu.memory_space<vmem>>) offsets(%dma_start3A_36 : memref<128xi32, #tpu.memory_space<vmem>>) semaphore(%arg11 : memref<!tpu.dma_semaphore, #tpu.memory_space<semaphore_mem>>)
    %dma_start3A_44 = arith.constant 1 : i32
    %dma_start3A_45 = arith.constant 0 : i32
    %dma_start3A_46 = tpu.memref_slice %arg6[%dma_start3A_44, %dma_start3A_45] : memref<40x128xi32, #tpu.memory_space<vmem>> -> memref<1x128xi32, #tpu.memory_space<vmem>>
    %dma_start3A_47 = tpu.memref_squeeze %dma_start3A_46 : memref<1x128xi32, #tpu.memory_space<vmem>> -> memref<128xi32, #tpu.memory_space<vmem>>
    %dma_start3A_48 = arith.constant 0 : i32
    %dma_start3A_49 = arith.constant 0 : i32
    %dma_start3A_50 = tpu.memref_slice %arg4[%arg0, %dma_start3A_48, %dma_start3A_49] : memref<2x10000x128xf32, #tpu.memory_space<hbm>> -> memref<1x10000x128xf32, #tpu.memory_space<hbm>>
    %dma_start3A_51 = tpu.memref_squeeze %dma_start3A_50 : memref<1x10000x128xf32, #tpu.memory_space<hbm>> -> memref<10000x128xf32, #tpu.memory_space<hbm>>
    %dma_start3A_52 = arith.constant 0 : i32
    %dma_start3A_53 = arith.constant 0 : i32
    %dma_start3A_54 = tpu.memref_slice %dma_start3A_51[%dma_start3A_52, %dma_start3A_53] : memref<10000x128xf32, #tpu.memory_space<hbm>> -> memref<10000x128xf32, #tpu.memory_space<hbm>>
    tpu.enqueue_indirect_dma source(%dma_start3A_54 : memref<10000x128xf32, #tpu.memory_space<hbm>>) target(%arg9 : memref<128x128xf32, #tpu.memory_space<vmem>>) offsets(%dma_start3A_47 : memref<128xi32, #tpu.memory_space<vmem>>) semaphore(%arg12 : memref<!tpu.dma_semaphore, #tpu.memory_space<semaphore_mem>>)
    %scan3A_55 = arith.constant 0 : i32
    %scan3A_56 = arith.constant 0 : i32
    %scan3A_57 = arith.constant 20 : i32
    %scan3A_58 = arith.addi %scan3A_56, %scan3A_57 : i32
    %scan3A_59 = arith.constant 1 : i32
    scf.for %scan3A_72 = %scan3A_56 to %scan3A_58 step %scan3A_59  : i32 {
      %mul3A_73 = arith.constant 2 : i32
      %mul3A_74 = arith.muli %scan3A_72, %mul3A_73 : i32
      %dma_wait3A = arith.constant 0 : i32
      %dma_wait3A_75 = tpu.memref_slice %arg6[%mul3A_74, %dma_wait3A] : memref<40x128xi32, #tpu.memory_space<vmem>> -> memref<1x128xi32, #tpu.memory_space<vmem>>
      %dma_wait3A_76 = tpu.memref_squeeze %dma_wait3A_75 : memref<1x128xi32, #tpu.memory_space<vmem>> -> memref<128xi32, #tpu.memory_space<vmem>>
      %dma_wait3A_77 = arith.constant 0 : i32
      %dma_wait3A_78 = arith.constant 0 : i32
      %dma_wait3A_79 = tpu.memref_slice %arg4[%arg0, %dma_wait3A_77, %dma_wait3A_78] : memref<2x10000x128xf32, #tpu.memory_space<hbm>> -> memref<1x10000x128xf32, #tpu.memory_space<hbm>>
      %dma_wait3A_80 = tpu.memref_squeeze %dma_wait3A_79 : memref<1x10000x128xf32, #tpu.memory_space<hbm>> -> memref<10000x128xf32, #tpu.memory_space<hbm>>
      %dma_wait3A_81 = arith.constant 0 : i32
      %dma_wait3A_82 = arith.constant 0 : i32
      %dma_wait3A_83 = tpu.memref_slice %dma_wait3A_80[%dma_wait3A_81, %dma_wait3A_82] : memref<10000x128xf32, #tpu.memory_space<hbm>> -> memref<10000x128xf32, #tpu.memory_space<hbm>>
      tpu.wait_indirect_dma semaphore(%arg11 : memref<!tpu.dma_semaphore, #tpu.memory_space<semaphore_mem>>) src(%dma_wait3A_83 : memref<10000x128xf32, #tpu.memory_space<hbm>>) dst(%arg8 : memref<128x128xf32, #tpu.memory_space<vmem>>)
      "tpu.region"() ({
        %run_scoped3A = tpu.sem_alloc : memref<!tpu.dma_semaphore, #tpu.memory_space<semaphore_mem>>
        %dma_start3A_111 = arith.constant 0 : i32
        %dma_start3A_112 = tpu.memref_slice %arg7[%mul3A_74, %dma_start3A_111] : memref<40x128xi32, #tpu.memory_space<vmem>> -> memref<1x128xi32, #tpu.memory_space<vmem>>
        %dma_start3A_113 = tpu.memref_squeeze %dma_start3A_112 : memref<1x128xi32, #tpu.memory_space<vmem>> -> memref<128xi32, #tpu.memory_space<vmem>>
        %dma_start3A_114 = arith.constant 0 : i32
        %dma_start3A_115 = arith.constant 0 : i32
        %dma_start3A_116 = tpu.memref_slice %arg10[%dma_start3A_114, %dma_start3A_115] : memref<10112x128xf32, #tpu.memory_space<vmem_shared>> -> memref<10112x128xf32, #tpu.memory_space<vmem_shared>>
        tpu.enqueue_indirect_dma source(%arg8 : memref<128x128xf32, #tpu.memory_space<vmem>>) target(%dma_start3A_116 : memref<10112x128xf32, #tpu.memory_space<vmem_shared>>) offsets(%dma_start3A_113 : memref<128xi32, #tpu.memory_space<vmem>>) semaphore(%run_scoped3A : memref<!tpu.dma_semaphore, #tpu.memory_space<semaphore_mem>>) {add = true}
        %dma_wait3A_117 = arith.constant 0 : i32
        %dma_wait3A_118 = tpu.memref_slice %arg7[%mul3A_74, %dma_wait3A_117] : memref<40x128xi32, #tpu.memory_space<vmem>> -> memref<1x128xi32, #tpu.memory_space<vmem>>
        %dma_wait3A_119 = tpu.memref_squeeze %dma_wait3A_118 : memref<1x128xi32, #tpu.memory_space<vmem>> -> memref<128xi32, #tpu.memory_space<vmem>>
        %dma_wait3A_120 = arith.constant 0 : i32
        %dma_wait3A_121 = arith.constant 0 : i32
        %dma_wait3A_122 = tpu.memref_slice %arg10[%dma_wait3A_120, %dma_wait3A_121] : memref<10112x128xf32, #tpu.memory_space<vmem_shared>> -> memref<10112x128xf32, #tpu.memory_space<vmem_shared>>
        tpu.wait_indirect_dma semaphore(%run_scoped3A : memref<!tpu.dma_semaphore, #tpu.memory_space<semaphore_mem>>) src(%arg8 : memref<128x128xf32, #tpu.memory_space<vmem>>) dst(%dma_wait3A_122 : memref<10112x128xf32, #tpu.memory_space<vmem_shared>>)
        tpu.yield
      }) : () -> ()
      %add3A = arith.constant 2 : i32
      %add3A_84 = arith.addi %mul3A_74, %add3A : i32
      %lt3A_85 = arith.constant 40 : i32
      %lt3A_86 = arith.cmpi slt, %add3A_84, %lt3A_85 : i32
      %convert_element_type3A_87 = arith.extui %lt3A_86 : i1 to i32
      %cond3A_88 = arith.constant 0 : i32
      %cond3A_89 = arith.cmpi ne, %convert_element_type3A_87, %cond3A_88 : i32
      scf.if %cond3A_89 {
        %add3A_111 = arith.constant 2 : i32
        %add3A_112 = arith.addi %mul3A_74, %add3A_111 : i32
        %dma_start3A_113 = arith.constant 0 : i32
        %dma_start3A_114 = tpu.memref_slice %arg6[%add3A_112, %dma_start3A_113] : memref<40x128xi32, #tpu.memory_space<vmem>> -> memref<1x128xi32, #tpu.memory_space<vmem>>
        %dma_start3A_115 = tpu.memref_squeeze %dma_start3A_114 : memref<1x128xi32, #tpu.memory_space<vmem>> -> memref<128xi32, #tpu.memory_space<vmem>>
        %dma_start3A_116 = arith.constant 0 : i32
        %dma_start3A_117 = arith.constant 0 : i32
        %dma_start3A_118 = tpu.memref_slice %arg4[%arg0, %dma_start3A_116, %dma_start3A_117] : memref<2x10000x128xf32, #tpu.memory_space<hbm>> -> memref<1x10000x128xf32, #tpu.memory_space<hbm>>
        %dma_start3A_119 = tpu.memref_squeeze %dma_start3A_118 : memref<1x10000x128xf32, #tpu.memory_space<hbm>> -> memref<10000x128xf32, #tpu.memory_space<hbm>>
        %dma_start3A_120 = arith.constant 0 : i32
        %dma_start3A_121 = arith.constant 0 : i32
        %dma_start3A_122 = tpu.memref_slice %dma_start3A_119[%dma_start3A_120, %dma_start3A_121] : memref<10000x128xf32, #tpu.memory_space<hbm>> -> memref<10000x128xf32, #tpu.memory_space<hbm>>
        tpu.enqueue_indirect_dma source(%dma_start3A_122 : memref<10000x128xf32, #tpu.memory_space<hbm>>) target(%arg8 : memref<128x128xf32, #tpu.memory_space<vmem>>) offsets(%dma_start3A_115 : memref<128xi32, #tpu.memory_space<vmem>>) semaphore(%arg11 : memref<!tpu.dma_semaphore, #tpu.memory_space<semaphore_mem>>)
      } else {
      }
      %add3A_90 = arith.constant 1 : i32
      %add3A_91 = arith.addi %mul3A_74, %add3A_90 : i32
      %dma_wait3A_92 = arith.constant 0 : i32
      %dma_wait3A_93 = tpu.memref_slice %arg6[%add3A_91, %dma_wait3A_92] : memref<40x128xi32, #tpu.memory_space<vmem>> -> memref<1x128xi32, #tpu.memory_space<vmem>>
      %dma_wait3A_94 = tpu.memref_squeeze %dma_wait3A_93 : memref<1x128xi32, #tpu.memory_space<vmem>> -> memref<128xi32, #tpu.memory_space<vmem>>
      %dma_wait3A_95 = arith.constant 0 : i32
      %dma_wait3A_96 = arith.constant 0 : i32
      %dma_wait3A_97 = tpu.memref_slice %arg4[%arg0, %dma_wait3A_95, %dma_wait3A_96] : memref<2x10000x128xf32, #tpu.memory_space<hbm>> -> memref<1x10000x128xf32, #tpu.memory_space<hbm>>
      %dma_wait3A_98 = tpu.memref_squeeze %dma_wait3A_97 : memref<1x10000x128xf32, #tpu.memory_space<hbm>> -> memref<10000x128xf32, #tpu.memory_space<hbm>>
      %dma_wait3A_99 = arith.constant 0 : i32
      %dma_wait3A_100 = arith.constant 0 : i32
      %dma_wait3A_101 = tpu.memref_slice %dma_wait3A_98[%dma_wait3A_99, %dma_wait3A_100] : memref<10000x128xf32, #tpu.memory_space<hbm>> -> memref<10000x128xf32, #tpu.memory_space<hbm>>
      tpu.wait_indirect_dma semaphore(%arg12 : memref<!tpu.dma_semaphore, #tpu.memory_space<semaphore_mem>>) src(%dma_wait3A_101 : memref<10000x128xf32, #tpu.memory_space<hbm>>) dst(%arg9 : memref<128x128xf32, #tpu.memory_space<vmem>>)
      %add3A_102 = arith.constant 1 : i32
      %add3A_103 = arith.addi %mul3A_74, %add3A_102 : i32
      "tpu.region"() ({
        %run_scoped3A = tpu.sem_alloc : memref<!tpu.dma_semaphore, #tpu.memory_space<semaphore_mem>>
        %dma_start3A_111 = arith.constant 0 : i32
        %dma_start3A_112 = tpu.memref_slice %arg7[%add3A_103, %dma_start3A_111] : memref<40x128xi32, #tpu.memory_space<vmem>> -> memref<1x128xi32, #tpu.memory_space<vmem>>
        %dma_start3A_113 = tpu.memref_squeeze %dma_start3A_112 : memref<1x128xi32, #tpu.memory_space<vmem>> -> memref<128xi32, #tpu.memory_space<vmem>>
        %dma_start3A_114 = arith.constant 0 : i32
        %dma_start3A_115 = arith.constant 0 : i32
        %dma_start3A_116 = tpu.memref_slice %arg10[%dma_start3A_114, %dma_start3A_115] : memref<10112x128xf32, #tpu.memory_space<vmem_shared>> -> memref<10112x128xf32, #tpu.memory_space<vmem_shared>>
        tpu.enqueue_indirect_dma source(%arg9 : memref<128x128xf32, #tpu.memory_space<vmem>>) target(%dma_start3A_116 : memref<10112x128xf32, #tpu.memory_space<vmem_shared>>) offsets(%dma_start3A_113 : memref<128xi32, #tpu.memory_space<vmem>>) semaphore(%run_scoped3A : memref<!tpu.dma_semaphore, #tpu.memory_space<semaphore_mem>>) {add = true}
        %dma_wait3A_117 = arith.constant 0 : i32
        %dma_wait3A_118 = tpu.memref_slice %arg7[%add3A_103, %dma_wait3A_117] : memref<40x128xi32, #tpu.memory_space<vmem>> -> memref<1x128xi32, #tpu.memory_space<vmem>>
        %dma_wait3A_119 = tpu.memref_squeeze %dma_wait3A_118 : memref<1x128xi32, #tpu.memory_space<vmem>> -> memref<128xi32, #tpu.memory_space<vmem>>
        %dma_wait3A_120 = arith.constant 0 : i32
        %dma_wait3A_121 = arith.constant 0 : i32
        %dma_wait3A_122 = tpu.memref_slice %arg10[%dma_wait3A_120, %dma_wait3A_121] : memref<10112x128xf32, #tpu.memory_space<vmem_shared>> -> memref<10112x128xf32, #tpu.memory_space<vmem_shared>>
        tpu.wait_indirect_dma semaphore(%run_scoped3A : memref<!tpu.dma_semaphore, #tpu.memory_space<semaphore_mem>>) src(%arg9 : memref<128x128xf32, #tpu.memory_space<vmem>>) dst(%dma_wait3A_122 : memref<10112x128xf32, #tpu.memory_space<vmem_shared>>)
        tpu.yield
      }) : () -> ()
      %add3A_104 = arith.constant 3 : i32
      %add3A_105 = arith.addi %mul3A_74, %add3A_104 : i32
      %lt3A_106 = arith.constant 40 : i32
      %lt3A_107 = arith.cmpi slt, %add3A_105, %lt3A_106 : i32
      %convert_element_type3A_108 = arith.extui %lt3A_107 : i1 to i32
      %cond3A_109 = arith.constant 0 : i32
      %cond3A_110 = arith.cmpi ne, %convert_element_type3A_108, %cond3A_109 : i32
      scf.if %cond3A_110 {
        %add3A_111 = arith.constant 3 : i32
        %add3A_112 = arith.addi %mul3A_74, %add3A_111 : i32
        %dma_start3A_113 = arith.constant 0 : i32
        %dma_start3A_114 = tpu.memref_slice %arg6[%add3A_112, %dma_start3A_113] : memref<40x128xi32, #tpu.memory_space<vmem>> -> memref<1x128xi32, #tpu.memory_space<vmem>>
        %dma_start3A_115 = tpu.memref_squeeze %dma_start3A_114 : memref<1x128xi32, #tpu.memory_space<vmem>> -> memref<128xi32, #tpu.memory_space<vmem>>
        %dma_start3A_116 = arith.constant 0 : i32
        %dma_start3A_117 = arith.constant 0 : i32
        %dma_start3A_118 = tpu.memref_slice %arg4[%arg0, %dma_start3A_116, %dma_start3A_117] : memref<2x10000x128xf32, #tpu.memory_space<hbm>> -> memref<1x10000x128xf32, #tpu.memory_space<hbm>>
        %dma_start3A_119 = tpu.memref_squeeze %dma_start3A_118 : memref<1x10000x128xf32, #tpu.memory_space<hbm>> -> memref<10000x128xf32, #tpu.memory_space<hbm>>
        %dma_start3A_120 = arith.constant 0 : i32
        %dma_start3A_121 = arith.constant 0 : i32
        %dma_start3A_122 = tpu.memref_slice %dma_start3A_119[%dma_start3A_120, %dma_start3A_121] : memref<10000x128xf32, #tpu.memory_space<hbm>> -> memref<10000x128xf32, #tpu.memory_space<hbm>>
        tpu.enqueue_indirect_dma source(%dma_start3A_122 : memref<10000x128xf32, #tpu.memory_space<hbm>>) target(%arg9 : memref<128x128xf32, #tpu.memory_space<vmem>>) offsets(%dma_start3A_115 : memref<128xi32, #tpu.memory_space<vmem>>) semaphore(%arg12 : memref<!tpu.dma_semaphore, #tpu.memory_space<semaphore_mem>>)
      } else {
      }
    }
    %scan3A_60 = arith.constant 20 : i32
    %barrier3A_61 = arith.constant 0 : index
    tpu.barrier barrier_id(%barrier3A_61)
    %lt3A_62 = arith.constant 15 : i32
    %lt3A_63 = arith.cmpi slt, %arg1, %lt3A_62 : i32
    %convert_element_type3A_64 = arith.extui %lt3A_63 : i1 to i32
    %cond3A_65 = arith.constant 0 : i32
    %cond3A_66 = arith.cmpi ne, %convert_element_type3A_64, %cond3A_65 : i32
    scf.if %cond3A_66 {
      "tpu.region"() ({
        %run_scoped3A = tpu.sem_alloc : memref<!tpu.dma_semaphore, #tpu.memory_space<semaphore_mem>>
        %dma_start3A_72 = arith.constant 0 : i32
        %dma_start3A_73 = tpu.memref_slice %arg5[%arg0, %mul3A_0, %dma_start3A_72] : memref<2x10000x128xf32, #tpu.memory_space<hbm>> -> memref<1x632x128xf32, #tpu.memory_space<hbm>>
        %dma_start3A_74 = tpu.memref_squeeze %dma_start3A_73 : memref<1x632x128xf32, #tpu.memory_space<hbm>> -> memref<632x128xf32, #tpu.memory_space<hbm>>
        %dma_start3A_75 = arith.constant 0 : i32
        %dma_start3A_76 = tpu.memref_slice %arg10[%mul3A_0, %dma_start3A_75] : memref<10112x128xf32, #tpu.memory_space<vmem_shared>> -> memref<632x128xf32, #tpu.memory_space<vmem_shared>>
        tpu.enqueue_dma source(%dma_start3A_76 : memref<632x128xf32, #tpu.memory_space<vmem_shared>>) target(%dma_start3A_74 : memref<632x128xf32, #tpu.memory_space<hbm>>) target_semaphore(%run_scoped3A : memref<!tpu.dma_semaphore, #tpu.memory_space<semaphore_mem>>)
        %dma_wait3A = arith.constant 0 : i32
        %dma_wait3A_77 = tpu.memref_slice %arg5[%arg0, %mul3A_0, %dma_wait3A] : memref<2x10000x128xf32, #tpu.memory_space<hbm>> -> memref<1x632x128xf32, #tpu.memory_space<hbm>>
        %dma_wait3A_78 = tpu.memref_squeeze %dma_wait3A_77 : memref<1x632x128xf32, #tpu.memory_space<hbm>> -> memref<632x128xf32, #tpu.memory_space<hbm>>
        %dma_wait3A_79 = arith.constant 0 : i32
        %dma_wait3A_80 = tpu.memref_slice %arg10[%mul3A_0, %dma_wait3A_79] : memref<10112x128xf32, #tpu.memory_space<vmem_shared>> -> memref<632x128xf32, #tpu.memory_space<vmem_shared>>
        tpu.wait_dma2 semaphore(%run_scoped3A : memref<!tpu.dma_semaphore, #tpu.memory_space<semaphore_mem>>) src(%dma_wait3A_80 : memref<632x128xf32, #tpu.memory_space<vmem_shared>>) dst(%dma_wait3A_78 : memref<632x128xf32, #tpu.memory_space<hbm>>)
        tpu.yield
      }) : () -> ()
    } else {
    }
    %eq3A_67 = arith.constant 15 : i32
    %eq3A_68 = arith.cmpi eq, %arg1, %eq3A_67 : i32
    %convert_element_type3A_69 = arith.extui %eq3A_68 : i1 to i32
    %cond3A_70 = arith.constant 0 : i32
    %cond3A_71 = arith.cmpi ne, %convert_element_type3A_69, %cond3A_70 : i32
    scf.if %cond3A_71 {
      "tpu.region"() ({
        %run_scoped3A = tpu.sem_alloc : memref<!tpu.dma_semaphore, #tpu.memory_space<semaphore_mem>>
        %dma_start3A_72 = arith.constant 0 : i32
        %dma_start3A_73 = tpu.memref_slice %arg5[%arg0, %mul3A_0, %dma_start3A_72] : memref<2x10000x128xf32, #tpu.memory_space<hbm>> -> memref<1x520x128xf32, #tpu.memory_space<hbm>>
        %dma_start3A_74 = tpu.memref_squeeze %dma_start3A_73 : memref<1x520x128xf32, #tpu.memory_space<hbm>> -> memref<520x128xf32, #tpu.memory_space<hbm>>
        %dma_start3A_75 = arith.constant 0 : i32
        %dma_start3A_76 = tpu.memref_slice %arg10[%mul3A_0, %dma_start3A_75] : memref<10112x128xf32, #tpu.memory_space<vmem_shared>> -> memref<520x128xf32, #tpu.memory_space<vmem_shared>>
        tpu.enqueue_dma source(%dma_start3A_76 : memref<520x128xf32, #tpu.memory_space<vmem_shared>>) target(%dma_start3A_74 : memref<520x128xf32, #tpu.memory_space<hbm>>) target_semaphore(%run_scoped3A : memref<!tpu.dma_semaphore, #tpu.memory_space<semaphore_mem>>)
        %dma_wait3A = arith.constant 0 : i32
        %dma_wait3A_77 = tpu.memref_slice %arg5[%arg0, %mul3A_0, %dma_wait3A] : memref<2x10000x128xf32, #tpu.memory_space<hbm>> -> memref<1x520x128xf32, #tpu.memory_space<hbm>>
        %dma_wait3A_78 = tpu.memref_squeeze %dma_wait3A_77 : memref<1x520x128xf32, #tpu.memory_space<hbm>> -> memref<520x128xf32, #tpu.memory_space<hbm>>
        %dma_wait3A_79 = arith.constant 0 : i32
        %dma_wait3A_80 = tpu.memref_slice %arg10[%mul3A_0, %dma_wait3A_79] : memref<10112x128xf32, #tpu.memory_space<vmem_shared>> -> memref<520x128xf32, #tpu.memory_space<vmem_shared>>
        tpu.wait_dma2 semaphore(%run_scoped3A : memref<!tpu.dma_semaphore, #tpu.memory_space<semaphore_mem>>) src(%dma_wait3A_80 : memref<520x128xf32, #tpu.memory_space<vmem_shared>>) dst(%dma_wait3A_78 : memref<520x128xf32, #tpu.memory_space<hbm>>)
        tpu.yield
      }) : () -> ()
    } else {
    }
    return
  }
}

#map = affine_map<(d0, d1) -> (0, 0, 0)>
#map1 = affine_map<(d0, d1) -> (0)>
module attributes {stable_mosaic.version = 14 : i64} {
  func.func @_deg_kernel(%arg0: i32, %arg1: i32, %arg2: memref<16x80x128xi32, #tpu.memory_space<hbm>>, %arg3: memref<10000xf32, #tpu.memory_space<hbm>>, %arg4: memref<80x128xi32, #tpu.memory_space<vmem>>, %arg5: memref<128xf32, #tpu.memory_space<vmem>>, %arg6: memref<640xf32, #tpu.memory_space<vmem>>, %arg7: memref<10112xf32, #tpu.memory_space<vmem_shared>>) attributes {dimension_semantics = [#tpu.dimension_semantics<core_parallel>, #tpu.dimension_semantics<subcore_parallel>], iteration_bounds = array<i64: 2, 16>, scalar_prefetch = 0 : i64, scratch_operands = 4 : i64, tpu.core_type = #tpu.core_type<sc_vector_subcore>, window_params = [{transform_indices = #map}, {transform_indices = #map1}]} {
    %mul3A = arith.constant 632 : i32
    %mul3A_0 = arith.muli %arg1, %mul3A : i32
    %scan3A = arith.constant 0 : i32
    %scan3A_1 = arith.constant 0 : i32
    %scan3A_2 = arith.constant 40 : i32
    %scan3A_3 = arith.addi %scan3A_1, %scan3A_2 : i32
    %scan3A_4 = arith.constant 1 : i32
    scf.for %scan3A_36 = %scan3A_1 to %scan3A_3 step %scan3A_4  : i32 {
      %broadcast_in_dim3A = arith.constant 0.000000e+00 : f32
      %broadcast_in_dim3A_37 = vector.broadcast %broadcast_in_dim3A : f32 to vector<16xf32>
      %mul3A_38 = arith.constant 16 : i32
      %mul3A_39 = arith.muli %scan3A_36, %mul3A_38 : i32
      %swap3A = arith.index_cast %mul3A_39 : i32 to index
      %swap3A_40 = tpu.vector_load %arg6[%swap3A] {strides = array<i32>} : memref<640xf32, #tpu.memory_space<vmem>>, vector<16xf32>,
      %swap3A_41 = vector.shape_cast %swap3A_40 : vector<16xf32> to vector<16xf32>
      %swap3A_42 = vector.shape_cast %broadcast_in_dim3A_37 : vector<16xf32> to vector<16xf32>
      tpu.vector_store %arg6[%swap3A], %swap3A_42 {strides = array<i32>} : memref<640xf32, #tpu.memory_space<vmem>>, vector<16xf32>,
    }
    %scan3A_5 = arith.constant 40 : i32
    %scan3A_6 = arith.constant 0 : i32
    %scan3A_7 = arith.constant 0 : i32
    %scan3A_8 = arith.constant 8 : i32
    %scan3A_9 = arith.addi %scan3A_7, %scan3A_8 : i32
    %scan3A_10 = arith.constant 1 : i32
    scf.for %scan3A_36 = %scan3A_7 to %scan3A_9 step %scan3A_10  : i32 {
      %broadcast_in_dim3A = arith.constant 1.000000e+00 : f32
      %broadcast_in_dim3A_37 = vector.broadcast %broadcast_in_dim3A : f32 to vector<16xf32>
      %mul3A_38 = arith.constant 16 : i32
      %mul3A_39 = arith.muli %scan3A_36, %mul3A_38 : i32
      %swap3A = arith.index_cast %mul3A_39 : i32 to index
      %swap3A_40 = tpu.vector_load %arg5[%swap3A] {strides = array<i32>} : memref<128xf32, #tpu.memory_space<vmem>>, vector<16xf32>,
      %swap3A_41 = vector.shape_cast %swap3A_40 : vector<16xf32> to vector<16xf32>
      %swap3A_42 = vector.shape_cast %broadcast_in_dim3A_37 : vector<16xf32> to vector<16xf32>
      tpu.vector_store %arg5[%swap3A], %swap3A_42 {strides = array<i32>} : memref<128xf32, #tpu.memory_space<vmem>>, vector<16xf32>,
    }
    %scan3A_11 = arith.constant 8 : i32
    "tpu.region"() ({
      %run_scoped3A = tpu.sem_alloc : memref<!tpu.dma_semaphore, #tpu.memory_space<semaphore_mem>>
      %dma_start3A = arith.constant 0 : i32
      %dma_start3A_36 = tpu.memref_slice %arg6[%dma_start3A] : memref<640xf32, #tpu.memory_space<vmem>> -> memref<632xf32, #tpu.memory_space<vmem>>
      %dma_start3A_37 = tpu.memref_slice %arg7[%mul3A_0] : memref<10112xf32, #tpu.memory_space<vmem_shared>> -> memref<632xf32, #tpu.memory_space<vmem_shared>>
      %dma_start3A_38 = tpu.memref_slice %arg7[%mul3A_0] : memref<10112xf32, #tpu.memory_space<vmem_shared>> -> memref<632xf32, #tpu.memory_space<vmem_shared>>
      %dma_start3A_39 = arith.constant 0 : i32
      %dma_start3A_40 = tpu.memref_slice %arg6[%dma_start3A_39] : memref<640xf32, #tpu.memory_space<vmem>> -> memref<632xf32, #tpu.memory_space<vmem>>
      tpu.enqueue_dma source(%dma_start3A_40 : memref<632xf32, #tpu.memory_space<vmem>>) target(%dma_start3A_38 : memref<632xf32, #tpu.memory_space<vmem_shared>>) target_semaphore(%run_scoped3A : memref<!tpu.dma_semaphore, #tpu.memory_space<semaphore_mem>>)
      %dma_wait3A = arith.constant 0 : i32
      %dma_wait3A_41 = tpu.memref_slice %arg6[%dma_wait3A] : memref<640xf32, #tpu.memory_space<vmem>> -> memref<632xf32, #tpu.memory_space<vmem>>
      %dma_wait3A_42 = tpu.memref_slice %arg7[%mul3A_0] : memref<10112xf32, #tpu.memory_space<vmem_shared>> -> memref<632xf32, #tpu.memory_space<vmem_shared>>
      %dma_wait3A_43 = tpu.memref_slice %arg7[%mul3A_0] : memref<10112xf32, #tpu.memory_space<vmem_shared>> -> memref<632xf32, #tpu.memory_space<vmem_shared>>
      %dma_wait3A_44 = arith.constant 0 : i32
      %dma_wait3A_45 = tpu.memref_slice %arg6[%dma_wait3A_44] : memref<640xf32, #tpu.memory_space<vmem>> -> memref<632xf32, #tpu.memory_space<vmem>>
      tpu.wait_dma2 semaphore(%run_scoped3A : memref<!tpu.dma_semaphore, #tpu.memory_space<semaphore_mem>>) src(%dma_wait3A_45 : memref<632xf32, #tpu.memory_space<vmem>>) dst(%dma_wait3A_43 : memref<632xf32, #tpu.memory_space<vmem_shared>>)
      tpu.yield
    }) : () -> ()
    "tpu.region"() ({
      %run_scoped3A = tpu.sem_alloc : memref<!tpu.dma_semaphore, #tpu.memory_space<semaphore_mem>>
      %dma_start3A = arith.constant 0 : i32
      %dma_start3A_36 = arith.constant 0 : i32
      %dma_start3A_37 = tpu.memref_slice %arg2[%arg1, %dma_start3A, %dma_start3A_36] : memref<16x80x128xi32, #tpu.memory_space<hbm>> -> memref<1x80x128xi32, #tpu.memory_space<hbm>>
      %dma_start3A_38 = tpu.memref_squeeze %dma_start3A_37 : memref<1x80x128xi32, #tpu.memory_space<hbm>> -> memref<80x128xi32, #tpu.memory_space<hbm>>
      %dma_start3A_39 = arith.constant 0 : i32
      %dma_start3A_40 = arith.constant 0 : i32
      %dma_start3A_41 = tpu.memref_slice %arg2[%arg1, %dma_start3A_39, %dma_start3A_40] : memref<16x80x128xi32, #tpu.memory_space<hbm>> -> memref<1x80x128xi32, #tpu.memory_space<hbm>>
      %dma_start3A_42 = tpu.memref_squeeze %dma_start3A_41 : memref<1x80x128xi32, #tpu.memory_space<hbm>> -> memref<80x128xi32, #tpu.memory_space<hbm>>
      tpu.enqueue_dma source(%dma_start3A_42 : memref<80x128xi32, #tpu.memory_space<hbm>>) target(%arg4 : memref<80x128xi32, #tpu.memory_space<vmem>>) target_semaphore(%run_scoped3A : memref<!tpu.dma_semaphore, #tpu.memory_space<semaphore_mem>>)
      %dma_wait3A = arith.constant 0 : i32
      %dma_wait3A_43 = arith.constant 0 : i32
      %dma_wait3A_44 = tpu.memref_slice %arg2[%arg1, %dma_wait3A, %dma_wait3A_43] : memref<16x80x128xi32, #tpu.memory_space<hbm>> -> memref<1x80x128xi32, #tpu.memory_space<hbm>>
      %dma_wait3A_45 = tpu.memref_squeeze %dma_wait3A_44 : memref<1x80x128xi32, #tpu.memory_space<hbm>> -> memref<80x128xi32, #tpu.memory_space<hbm>>
      %dma_wait3A_46 = arith.constant 0 : i32
      %dma_wait3A_47 = arith.constant 0 : i32
      %dma_wait3A_48 = tpu.memref_slice %arg2[%arg1, %dma_wait3A_46, %dma_wait3A_47] : memref<16x80x128xi32, #tpu.memory_space<hbm>> -> memref<1x80x128xi32, #tpu.memory_space<hbm>>
      %dma_wait3A_49 = tpu.memref_squeeze %dma_wait3A_48 : memref<1x80x128xi32, #tpu.memory_space<hbm>> -> memref<80x128xi32, #tpu.memory_space<hbm>>
      tpu.wait_dma2 semaphore(%run_scoped3A : memref<!tpu.dma_semaphore, #tpu.memory_space<semaphore_mem>>) src(%dma_wait3A_49 : memref<80x128xi32, #tpu.memory_space<hbm>>) dst(%arg4 : memref<80x128xi32, #tpu.memory_space<vmem>>)
      tpu.yield
    }) : () -> ()
    %barrier3A = arith.constant 0 : index
    tpu.barrier barrier_id(%barrier3A)
    %scan3A_12 = arith.constant 0 : i32
    %scan3A_13 = arith.constant 0 : i32
    %scan3A_14 = arith.constant 80 : i32
    %scan3A_15 = arith.addi %scan3A_13, %scan3A_14 : i32
    %scan3A_16 = arith.constant 1 : i32
    scf.for %scan3A_36 = %scan3A_13 to %scan3A_15 step %scan3A_16  : i32 {
      "tpu.region"() ({
        %run_scoped3A = tpu.sem_alloc : memref<!tpu.dma_semaphore, #tpu.memory_space<semaphore_mem>>
        %dma_start3A = arith.constant 0 : i32
        %dma_start3A_37 = tpu.memref_slice %arg4[%scan3A_36, %dma_start3A] : memref<80x128xi32, #tpu.memory_space<vmem>> -> memref<1x128xi32, #tpu.memory_space<vmem>>
        %dma_start3A_38 = tpu.memref_squeeze %dma_start3A_37 : memref<1x128xi32, #tpu.memory_space<vmem>> -> memref<128xi32, #tpu.memory_space<vmem>>
        %dma_start3A_39 = arith.constant 0 : i32
        %dma_start3A_40 = tpu.memref_slice %arg7[%dma_start3A_39] : memref<10112xf32, #tpu.memory_space<vmem_shared>> -> memref<10112xf32, #tpu.memory_space<vmem_shared>>
        tpu.enqueue_indirect_dma source(%arg5 : memref<128xf32, #tpu.memory_space<vmem>>) target(%dma_start3A_40 : memref<10112xf32, #tpu.memory_space<vmem_shared>>) offsets(%dma_start3A_38 : memref<128xi32, #tpu.memory_space<vmem>>) semaphore(%run_scoped3A : memref<!tpu.dma_semaphore, #tpu.memory_space<semaphore_mem>>) {add = true}
        %dma_wait3A = arith.constant 0 : i32
        %dma_wait3A_41 = tpu.memref_slice %arg4[%scan3A_36, %dma_wait3A] : memref<80x128xi32, #tpu.memory_space<vmem>> -> memref<1x128xi32, #tpu.memory_space<vmem>>
        %dma_wait3A_42 = tpu.memref_squeeze %dma_wait3A_41 : memref<1x128xi32, #tpu.memory_space<vmem>> -> memref<128xi32, #tpu.memory_space<vmem>>
        %dma_wait3A_43 = arith.constant 0 : i32
        %dma_wait3A_44 = tpu.memref_slice %arg7[%dma_wait3A_43] : memref<10112xf32, #tpu.memory_space<vmem_shared>> -> memref<10112xf32, #tpu.memory_space<vmem_shared>>
        tpu.wait_indirect_dma semaphore(%run_scoped3A : memref<!tpu.dma_semaphore, #tpu.memory_space<semaphore_mem>>) src(%arg5 : memref<128xf32, #tpu.memory_space<vmem>>) dst(%dma_wait3A_44 : memref<10112xf32, #tpu.memory_space<vmem_shared>>)
        tpu.yield
      }) : () -> ()
    }
    %scan3A_17 = arith.constant 80 : i32
    %barrier3A_18 = arith.constant 0 : index
    tpu.barrier barrier_id(%barrier3A_18)
    "tpu.region"() ({
      %run_scoped3A = tpu.sem_alloc : memref<!tpu.dma_semaphore, #tpu.memory_space<semaphore_mem>>
      %dma_start3A = arith.constant 0 : i32
      %dma_start3A_36 = tpu.memref_slice %arg6[%dma_start3A] : memref<640xf32, #tpu.memory_space<vmem>> -> memref<632xf32, #tpu.memory_space<vmem>>
      %dma_start3A_37 = tpu.memref_slice %arg7[%mul3A_0] : memref<10112xf32, #tpu.memory_space<vmem_shared>> -> memref<632xf32, #tpu.memory_space<vmem_shared>>
      %dma_start3A_38 = arith.constant 0 : i32
      %dma_start3A_39 = tpu.memref_slice %arg6[%dma_start3A_38] : memref<640xf32, #tpu.memory_space<vmem>> -> memref<632xf32, #tpu.memory_space<vmem>>
      %dma_start3A_40 = tpu.memref_slice %arg7[%mul3A_0] : memref<10112xf32, #tpu.memory_space<vmem_shared>> -> memref<632xf32, #tpu.memory_space<vmem_shared>>
      tpu.enqueue_dma source(%dma_start3A_40 : memref<632xf32, #tpu.memory_space<vmem_shared>>) target(%dma_start3A_39 : memref<632xf32, #tpu.memory_space<vmem>>) target_semaphore(%run_scoped3A : memref<!tpu.dma_semaphore, #tpu.memory_space<semaphore_mem>>)
      %dma_wait3A = arith.constant 0 : i32
      %dma_wait3A_41 = tpu.memref_slice %arg6[%dma_wait3A] : memref<640xf32, #tpu.memory_space<vmem>> -> memref<632xf32, #tpu.memory_space<vmem>>
      %dma_wait3A_42 = tpu.memref_slice %arg7[%mul3A_0] : memref<10112xf32, #tpu.memory_space<vmem_shared>> -> memref<632xf32, #tpu.memory_space<vmem_shared>>
      %dma_wait3A_43 = arith.constant 0 : i32
      %dma_wait3A_44 = tpu.memref_slice %arg6[%dma_wait3A_43] : memref<640xf32, #tpu.memory_space<vmem>> -> memref<632xf32, #tpu.memory_space<vmem>>
      %dma_wait3A_45 = tpu.memref_slice %arg7[%mul3A_0] : memref<10112xf32, #tpu.memory_space<vmem_shared>> -> memref<632xf32, #tpu.memory_space<vmem_shared>>
      tpu.wait_dma2 semaphore(%run_scoped3A : memref<!tpu.dma_semaphore, #tpu.memory_space<semaphore_mem>>) src(%dma_wait3A_45 : memref<632xf32, #tpu.memory_space<vmem_shared>>) dst(%dma_wait3A_44 : memref<632xf32, #tpu.memory_space<vmem>>)
      tpu.yield
    }) : () -> ()
    %scan3A_19 = arith.constant 0 : i32
    %scan3A_20 = arith.constant 0 : i32
    %scan3A_21 = arith.constant 40 : i32
    %scan3A_22 = arith.addi %scan3A_20, %scan3A_21 : i32
    %scan3A_23 = arith.constant 1 : i32
    scf.for %scan3A_36 = %scan3A_20 to %scan3A_22 step %scan3A_23  : i32 {
      %mul3A_37 = arith.constant 16 : i32
      %mul3A_38 = arith.muli %scan3A_36, %mul3A_37 : i32
      %get3A = arith.index_cast %mul3A_38 : i32 to index
      %get3A_39 = tpu.vector_load %arg6[%get3A] {strides = array<i32>} : memref<640xf32, #tpu.memory_space<vmem>>, vector<16xf32>,
      %get3A_40 = vector.shape_cast %get3A_39 : vector<16xf32> to vector<16xf32>
      %add3A = arith.constant 1.000000e+00 : f32
      %add3A_41 = vector.broadcast %add3A : f32 to vector<16xf32>
      %add3A_42 = arith.addf %get3A_40, %add3A_41 : vector<16xf32>
      %mul3A_43 = arith.constant 5.000000e-01 : f32
      %mul3A_44 = vector.broadcast %mul3A_43 : f32 to vector<16xf32>
      %mul3A_45 = arith.mulf %add3A_42, %mul3A_44 : vector<16xf32>
      %mul3A_46 = arith.constant 0.000000e+00 : f32
      %mul3A_47 = vector.broadcast %mul3A_46 : f32 to vector<16xf32>
      %mul3A_48 = arith.mulf %add3A_42, %mul3A_47 : vector<16xf32>
      %add3A_49 = arith.constant 2.000000e-03 : f32
      %add3A_50 = vector.broadcast %add3A_49 : f32 to vector<16xf32>
      %add3A_51 = arith.addf %mul3A_48, %add3A_50 : vector<16xf32>
      %mul3A_52 = arith.mulf %mul3A_45, %add3A_51 : vector<16xf32>
      %mul3A_53 = arith.mulf %mul3A_52, %add3A_51 : vector<16xf32>
      %sub3A = arith.constant 1.500000e+00 : f32
      %sub3A_54 = vector.broadcast %sub3A : f32 to vector<16xf32>
      %sub3A_55 = arith.subf %sub3A_54, %mul3A_53 : vector<16xf32>
      %mul3A_56 = arith.mulf %add3A_51, %sub3A_55 : vector<16xf32>
      %mul3A_57 = arith.mulf %mul3A_45, %mul3A_56 : vector<16xf32>
      %mul3A_58 = arith.mulf %mul3A_57, %mul3A_56 : vector<16xf32>
      %sub3A_59 = arith.constant 1.500000e+00 : f32
      %sub3A_60 = vector.broadcast %sub3A_59 : f32 to vector<16xf32>
      %sub3A_61 = arith.subf %sub3A_60, %mul3A_58 : vector<16xf32>
      %mul3A_62 = arith.mulf %mul3A_56, %sub3A_61 : vector<16xf32>
      %mul3A_63 = arith.mulf %mul3A_45, %mul3A_62 : vector<16xf32>
      %mul3A_64 = arith.mulf %mul3A_63, %mul3A_62 : vector<16xf32>
      %sub3A_65 = arith.constant 1.500000e+00 : f32
      %sub3A_66 = vector.broadcast %sub3A_65 : f32 to vector<16xf32>
      %sub3A_67 = arith.subf %sub3A_66, %mul3A_64 : vector<16xf32>
      %mul3A_68 = arith.mulf %mul3A_62, %sub3A_67 : vector<16xf32>
      %mul3A_69 = arith.mulf %mul3A_45, %mul3A_68 : vector<16xf32>
      %mul3A_70 = arith.mulf %mul3A_69, %mul3A_68 : vector<16xf32>
      %sub3A_71 = arith.constant 1.500000e+00 : f32
      %sub3A_72 = vector.broadcast %sub3A_71 : f32 to vector<16xf32>
      %sub3A_73 = arith.subf %sub3A_72, %mul3A_70 : vector<16xf32>
      %mul3A_74 = arith.mulf %mul3A_68, %sub3A_73 : vector<16xf32>
      %mul3A_75 = arith.mulf %mul3A_45, %mul3A_74 : vector<16xf32>
      %mul3A_76 = arith.mulf %mul3A_75, %mul3A_74 : vector<16xf32>
      %sub3A_77 = arith.constant 1.500000e+00 : f32
      %sub3A_78 = vector.broadcast %sub3A_77 : f32 to vector<16xf32>
      %sub3A_79 = arith.subf %sub3A_78, %mul3A_76 : vector<16xf32>
      %mul3A_80 = arith.mulf %mul3A_74, %sub3A_79 : vector<16xf32>
      %mul3A_81 = arith.mulf %mul3A_45, %mul3A_80 : vector<16xf32>
      %mul3A_82 = arith.mulf %mul3A_81, %mul3A_80 : vector<16xf32>
      %sub3A_83 = arith.constant 1.500000e+00 : f32
      %sub3A_84 = vector.broadcast %sub3A_83 : f32 to vector<16xf32>
      %sub3A_85 = arith.subf %sub3A_84, %mul3A_82 : vector<16xf32>
      %mul3A_86 = arith.mulf %mul3A_80, %sub3A_85 : vector<16xf32>
      %mul3A_87 = arith.mulf %mul3A_45, %mul3A_86 : vector<16xf32>
      %mul3A_88 = arith.mulf %mul3A_87, %mul3A_86 : vector<16xf32>
      %sub3A_89 = arith.constant 1.500000e+00 : f32
      %sub3A_90 = vector.broadcast %sub3A_89 : f32 to vector<16xf32>
      %sub3A_91 = arith.subf %sub3A_90, %mul3A_88 : vector<16xf32>
      %mul3A_92 = arith.mulf %mul3A_86, %sub3A_91 : vector<16xf32>
      %mul3A_93 = arith.mulf %mul3A_45, %mul3A_92 : vector<16xf32>
      %mul3A_94 = arith.mulf %mul3A_93, %mul3A_92 : vector<16xf32>
      %sub3A_95 = arith.constant 1.500000e+00 : f32
      %sub3A_96 = vector.broadcast %sub3A_95 : f32 to vector<16xf32>
      %sub3A_97 = arith.subf %sub3A_96, %mul3A_94 : vector<16xf32>
      %mul3A_98 = arith.mulf %mul3A_92, %sub3A_97 : vector<16xf32>
      %mul3A_99 = arith.mulf %mul3A_45, %mul3A_98 : vector<16xf32>
      %mul3A_100 = arith.mulf %mul3A_99, %mul3A_98 : vector<16xf32>
      %sub3A_101 = arith.constant 1.500000e+00 : f32
      %sub3A_102 = vector.broadcast %sub3A_101 : f32 to vector<16xf32>
      %sub3A_103 = arith.subf %sub3A_102, %mul3A_100 : vector<16xf32>
      %mul3A_104 = arith.mulf %mul3A_98, %sub3A_103 : vector<16xf32>
      %mul3A_105 = arith.mulf %mul3A_45, %mul3A_104 : vector<16xf32>
      %mul3A_106 = arith.mulf %mul3A_105, %mul3A_104 : vector<16xf32>
      %sub3A_107 = arith.constant 1.500000e+00 : f32
      %sub3A_108 = vector.broadcast %sub3A_107 : f32 to vector<16xf32>
      %sub3A_109 = arith.subf %sub3A_108, %mul3A_106 : vector<16xf32>
      %mul3A_110 = arith.mulf %mul3A_104, %sub3A_109 : vector<16xf32>
      %mul3A_111 = arith.mulf %mul3A_45, %mul3A_110 : vector<16xf32>
      %mul3A_112 = arith.mulf %mul3A_111, %mul3A_110 : vector<16xf32>
      %sub3A_113 = arith.constant 1.500000e+00 : f32
      %sub3A_114 = vector.broadcast %sub3A_113 : f32 to vector<16xf32>
      %sub3A_115 = arith.subf %sub3A_114, %mul3A_112 : vector<16xf32>
      %mul3A_116 = arith.mulf %mul3A_110, %sub3A_115 : vector<16xf32>
      %mul3A_117 = arith.mulf %mul3A_45, %mul3A_116 : vector<16xf32>
      %mul3A_118 = arith.mulf %mul3A_117, %mul3A_116 : vector<16xf32>
      %sub3A_119 = arith.constant 1.500000e+00 : f32
      %sub3A_120 = vector.broadcast %sub3A_119 : f32 to vector<16xf32>
      %sub3A_121 = arith.subf %sub3A_120, %mul3A_118 : vector<16xf32>
      %mul3A_122 = arith.mulf %mul3A_116, %sub3A_121 : vector<16xf32>
      %mul3A_123 = arith.mulf %mul3A_45, %mul3A_122 : vector<16xf32>
      %mul3A_124 = arith.mulf %mul3A_123, %mul3A_122 : vector<16xf32>
      %sub3A_125 = arith.constant 1.500000e+00 : f32
      %sub3A_126 = vector.broadcast %sub3A_125 : f32 to vector<16xf32>
      %sub3A_127 = arith.subf %sub3A_126, %mul3A_124 : vector<16xf32>
      %mul3A_128 = arith.mulf %mul3A_122, %sub3A_127 : vector<16xf32>
      %mul3A_129 = arith.mulf %mul3A_45, %mul3A_128 : vector<16xf32>
      %mul3A_130 = arith.mulf %mul3A_129, %mul3A_128 : vector<16xf32>
      %sub3A_131 = arith.constant 1.500000e+00 : f32
      %sub3A_132 = vector.broadcast %sub3A_131 : f32 to vector<16xf32>
      %sub3A_133 = arith.subf %sub3A_132, %mul3A_130 : vector<16xf32>
      %mul3A_134 = arith.mulf %mul3A_128, %sub3A_133 : vector<16xf32>
      %mul3A_135 = arith.mulf %mul3A_45, %mul3A_134 : vector<16xf32>
      %mul3A_136 = arith.mulf %mul3A_135, %mul3A_134 : vector<16xf32>
      %sub3A_137 = arith.constant 1.500000e+00 : f32
      %sub3A_138 = vector.broadcast %sub3A_137 : f32 to vector<16xf32>
      %sub3A_139 = arith.subf %sub3A_138, %mul3A_136 : vector<16xf32>
      %mul3A_140 = arith.mulf %mul3A_134, %sub3A_139 : vector<16xf32>
      %mul3A_141 = arith.mulf %mul3A_45, %mul3A_140 : vector<16xf32>
      %mul3A_142 = arith.mulf %mul3A_141, %mul3A_140 : vector<16xf32>
      %sub3A_143 = arith.constant 1.500000e+00 : f32
      %sub3A_144 = vector.broadcast %sub3A_143 : f32 to vector<16xf32>
      %sub3A_145 = arith.subf %sub3A_144, %mul3A_142 : vector<16xf32>
      %mul3A_146 = arith.mulf %mul3A_140, %sub3A_145 : vector<16xf32>
      %mul3A_147 = arith.mulf %mul3A_45, %mul3A_146 : vector<16xf32>
      %mul3A_148 = arith.mulf %mul3A_147, %mul3A_146 : vector<16xf32>
      %sub3A_149 = arith.constant 1.500000e+00 : f32
      %sub3A_150 = vector.broadcast %sub3A_149 : f32 to vector<16xf32>
      %sub3A_151 = arith.subf %sub3A_150, %mul3A_148 : vector<16xf32>
      %mul3A_152 = arith.mulf %mul3A_146, %sub3A_151 : vector<16xf32>
      %mul3A_153 = arith.mulf %mul3A_45, %mul3A_152 : vector<16xf32>
      %mul3A_154 = arith.mulf %mul3A_153, %mul3A_152 : vector<16xf32>
      %sub3A_155 = arith.constant 1.500000e+00 : f32
      %sub3A_156 = vector.broadcast %sub3A_155 : f32 to vector<16xf32>
      %sub3A_157 = arith.subf %sub3A_156, %mul3A_154 : vector<16xf32>
      %mul3A_158 = arith.mulf %mul3A_152, %sub3A_157 : vector<16xf32>
      %mul3A_159 = arith.mulf %mul3A_45, %mul3A_158 : vector<16xf32>
      %mul3A_160 = arith.mulf %mul3A_159, %mul3A_158 : vector<16xf32>
      %sub3A_161 = arith.constant 1.500000e+00 : f32
      %sub3A_162 = vector.broadcast %sub3A_161 : f32 to vector<16xf32>
      %sub3A_163 = arith.subf %sub3A_162, %mul3A_160 : vector<16xf32>
      %mul3A_164 = arith.mulf %mul3A_158, %sub3A_163 : vector<16xf32>
      %mul3A_165 = arith.mulf %mul3A_45, %mul3A_164 : vector<16xf32>
      %mul3A_166 = arith.mulf %mul3A_165, %mul3A_164 : vector<16xf32>
      %sub3A_167 = arith.constant 1.500000e+00 : f32
      %sub3A_168 = vector.broadcast %sub3A_167 : f32 to vector<16xf32>
      %sub3A_169 = arith.subf %sub3A_168, %mul3A_166 : vector<16xf32>
      %mul3A_170 = arith.mulf %mul3A_164, %sub3A_169 : vector<16xf32>
      %mul3A_171 = arith.mulf %mul3A_45, %mul3A_170 : vector<16xf32>
      %mul3A_172 = arith.mulf %mul3A_171, %mul3A_170 : vector<16xf32>
      %sub3A_173 = arith.constant 1.500000e+00 : f32
      %sub3A_174 = vector.broadcast %sub3A_173 : f32 to vector<16xf32>
      %sub3A_175 = arith.subf %sub3A_174, %mul3A_172 : vector<16xf32>
      %mul3A_176 = arith.mulf %mul3A_170, %sub3A_175 : vector<16xf32>
      %mul3A_177 = arith.mulf %mul3A_45, %mul3A_176 : vector<16xf32>
      %mul3A_178 = arith.mulf %mul3A_177, %mul3A_176 : vector<16xf32>
      %sub3A_179 = arith.constant 1.500000e+00 : f32
      %sub3A_180 = vector.broadcast %sub3A_179 : f32 to vector<16xf32>
      %sub3A_181 = arith.subf %sub3A_180, %mul3A_178 : vector<16xf32>
      %mul3A_182 = arith.mulf %mul3A_176, %sub3A_181 : vector<16xf32>
      %mul3A_183 = arith.constant 16 : i32
      %mul3A_184 = arith.muli %scan3A_36, %mul3A_183 : i32
      %swap3A = arith.index_cast %mul3A_184 : i32 to index
      %swap3A_185 = tpu.vector_load %arg6[%swap3A] {strides = array<i32>} : memref<640xf32, #tpu.memory_space<vmem>>, vector<16xf32>,
      %swap3A_186 = vector.shape_cast %swap3A_185 : vector<16xf32> to vector<16xf32>
      %swap3A_187 = vector.shape_cast %mul3A_182 : vector<16xf32> to vector<16xf32>
      tpu.vector_store %arg6[%swap3A], %swap3A_187 {strides = array<i32>} : memref<640xf32, #tpu.memory_space<vmem>>, vector<16xf32>,
    }
    %scan3A_24 = arith.constant 40 : i32
    %eq3A = arith.constant 0 : i32
    %eq3A_25 = arith.cmpi eq, %arg0, %eq3A : i32
    %lt3A = arith.constant 15 : i32
    %lt3A_26 = arith.cmpi slt, %arg1, %lt3A : i32
    %and3A = arith.andi %eq3A_25, %lt3A_26 : i1
    %convert_element_type3A = arith.extui %and3A : i1 to i32
    %cond3A = arith.constant 0 : i32
    %cond3A_27 = arith.cmpi ne, %convert_element_type3A, %cond3A : i32
    scf.if %cond3A_27 {
      "tpu.region"() ({
        %run_scoped3A = tpu.sem_alloc : memref<!tpu.dma_semaphore, #tpu.memory_space<semaphore_mem>>
        %dma_start3A = arith.constant 0 : i32
        %dma_start3A_36 = tpu.memref_slice %arg6[%dma_start3A] : memref<640xf32, #tpu.memory_space<vmem>> -> memref<632xf32, #tpu.memory_space<vmem>>
        %dma_start3A_37 = tpu.memref_slice %arg3[%mul3A_0] : memref<10000xf32, #tpu.memory_space<hbm>> -> memref<632xf32, #tpu.memory_space<hbm>>
        %dma_start3A_38 = tpu.memref_slice %arg3[%mul3A_0] : memref<10000xf32, #tpu.memory_space<hbm>> -> memref<632xf32, #tpu.memory_space<hbm>>
        %dma_start3A_39 = arith.constant 0 : i32
        %dma_start3A_40 = tpu.memref_slice %arg6[%dma_start3A_39] : memref<640xf32, #tpu.memory_space<vmem>> -> memref<632xf32, #tpu.memory_space<vmem>>
        tpu.enqueue_dma source(%dma_start3A_40 : memref<632xf32, #tpu.memory_space<vmem>>) target(%dma_start3A_38 : memref<632xf32, #tpu.memory_space<hbm>>) target_semaphore(%run_scoped3A : memref<!tpu.dma_semaphore, #tpu.memory_space<semaphore_mem>>)
        %dma_wait3A = arith.constant 0 : i32
        %dma_wait3A_41 = tpu.memref_slice %arg6[%dma_wait3A] : memref<640xf32, #tpu.memory_space<vmem>> -> memref<632xf32, #tpu.memory_space<vmem>>
        %dma_wait3A_42 = tpu.memref_slice %arg3[%mul3A_0] : memref<10000xf32, #tpu.memory_space<hbm>> -> memref<632xf32, #tpu.memory_space<hbm>>
        %dma_wait3A_43 = tpu.memref_slice %arg3[%mul3A_0] : memref<10000xf32, #tpu.memory_space<hbm>> -> memref<632xf32, #tpu.memory_space<hbm>>
        %dma_wait3A_44 = arith.constant 0 : i32
        %dma_wait3A_45 = tpu.memref_slice %arg6[%dma_wait3A_44] : memref<640xf32, #tpu.memory_space<vmem>> -> memref<632xf32, #tpu.memory_space<vmem>>
        tpu.wait_dma2 semaphore(%run_scoped3A : memref<!tpu.dma_semaphore, #tpu.memory_space<semaphore_mem>>) src(%dma_wait3A_45 : memref<632xf32, #tpu.memory_space<vmem>>) dst(%dma_wait3A_43 : memref<632xf32, #tpu.memory_space<hbm>>)
        tpu.yield
      }) : () -> ()
    } else {
    }
    %eq3A_28 = arith.constant 0 : i32
    %eq3A_29 = arith.cmpi eq, %arg0, %eq3A_28 : i32
    %eq3A_30 = arith.constant 15 : i32
    %eq3A_31 = arith.cmpi eq, %arg1, %eq3A_30 : i32
    %and3A_32 = arith.andi %eq3A_29, %eq3A_31 : i1
    %convert_element_type3A_33 = arith.extui %and3A_32 : i1 to i32
    %cond3A_34 = arith.constant 0 : i32
    %cond3A_35 = arith.cmpi ne, %convert_element_type3A_33, %cond3A_34 : i32
    scf.if %cond3A_35 {
      "tpu.region"() ({
        %run_scoped3A = tpu.sem_alloc : memref<!tpu.dma_semaphore, #tpu.memory_space<semaphore_mem>>
        %dma_start3A = arith.constant 0 : i32
        %dma_start3A_36 = tpu.memref_slice %arg6[%dma_start3A] : memref<640xf32, #tpu.memory_space<vmem>> -> memref<520xf32, #tpu.memory_space<vmem>>
        %dma_start3A_37 = tpu.memref_slice %arg3[%mul3A_0] : memref<10000xf32, #tpu.memory_space<hbm>> -> memref<520xf32, #tpu.memory_space<hbm>>
        %dma_start3A_38 = tpu.memref_slice %arg3[%mul3A_0] : memref<10000xf32, #tpu.memory_space<hbm>> -> memref<520xf32, #tpu.memory_space<hbm>>
        %dma_start3A_39 = arith.constant 0 : i32
        %dma_start3A_40 = tpu.memref_slice %arg6[%dma_start3A_39] : memref<640xf32, #tpu.memory_space<vmem>> -> memref<520xf32, #tpu.memory_space<vmem>>
        tpu.enqueue_dma source(%dma_start3A_40 : memref<520xf32, #tpu.memory_space<vmem>>) target(%dma_start3A_38 : memref<520xf32, #tpu.memory_space<hbm>>) target_semaphore(%run_scoped3A : memref<!tpu.dma_semaphore, #tpu.memory_space<semaphore_mem>>)
        %dma_wait3A = arith.constant 0 : i32
        %dma_wait3A_41 = tpu.memref_slice %arg6[%dma_wait3A] : memref<640xf32, #tpu.memory_space<vmem>> -> memref<520xf32, #tpu.memory_space<vmem>>
        %dma_wait3A_42 = tpu.memref_slice %arg3[%mul3A_0] : memref<10000xf32, #tpu.memory_space<hbm>> -> memref<520xf32, #tpu.memory_space<hbm>>
        %dma_wait3A_43 = tpu.memref_slice %arg3[%mul3A_0] : memref<10000xf32, #tpu.memory_space<hbm>> -> memref<520xf32, #tpu.memory_space<hbm>>
        %dma_wait3A_44 = arith.constant 0 : i32
        %dma_wait3A_45 = tpu.memref_slice %arg6[%dma_wait3A_44] : memref<640xf32, #tpu.memory_space<vmem>> -> memref<520xf32, #tpu.memory_space<vmem>>
        tpu.wait_dma2 semaphore(%run_scoped3A : memref<!tpu.dma_semaphore, #tpu.memory_space<semaphore_mem>>) src(%dma_wait3A_45 : memref<520xf32, #tpu.memory_space<vmem>>) dst(%dma_wait3A_43 : memref<520xf32, #tpu.memory_space<hbm>>)
        tpu.yield
      }) : () -> ()
    } else {
    }
    return
  }
}

module attributes {stable_mosaic.version = 14 : i64} {
  func.func @_mm_body(%arg0: i32, %arg1: i32, %arg2: memref<400x256xf32, #tpu.memory_space<vmem>>, %arg3: memref<128x256xf32, #tpu.memory_space<vmem>>, %arg4: memref<400x1xf32, #tpu.memory_space<vmem>>, %arg5: memref<1x400x128xf32, #tpu.memory_space<vmem>>) attributes {dimension_semantics = [#tpu.dimension_semantics<arbitrary>, #tpu.dimension_semantics<arbitrary>], iteration_bounds = array<i64: 25, 2>, scalar_prefetch = 0 : i64, scratch_operands = 0 : i64, tpu.core_type = #tpu.core_type<tc>, window_params = [{transform_indices = @transform_0, window_bounds = array<i64: 400, 256>}, {transform_indices = @transform_1, window_bounds = array<i64: 128, 256>}, {transform_indices = @transform_2, window_bounds = array<i64: 400, 1>}, {transform_indices = @transform_3, window_bounds = array<i64: 1, 400, 128>}]} {
    %get3A = arith.constant 0 : index
    %get3A_0 = arith.constant 0 : index
    %get3A_1 = vector.load %arg2[%get3A, %get3A_0] : memref<400x256xf32, #tpu.memory_space<vmem>>, vector<400x256xf32>
    %get3A_2 = arith.constant 0 : index
    %get3A_3 = arith.constant 0 : index
    %get3A_4 = vector.load %arg3[%get3A_2, %get3A_3] : memref<128x256xf32, #tpu.memory_space<vmem>>, vector<128x256xf32>
    %dot_general3A = arith.constant dense<0.000000e+00> : vector<400x128xf32>
    %dot_general3A_5 = tpu.matmul %get3A_1, %get3A_4, %dot_general3A {dimension_numbers = #tpu.dot_dimension_numbers<[1], [1], [0], [0], [0, 0, 1, 0], [], []>, transpose_lhs_hint = false} : vector<400x256xf32>, vector<128x256xf32>, vector<400x128xf32> -> vector<400x128xf32>
    %get3A_6 = arith.constant 0 : index
    %get3A_7 = arith.constant 0 : index
    %get3A_8 = vector.load %arg4[%get3A_6, %get3A_7] : memref<400x1xf32, #tpu.memory_space<vmem>>, vector<400x1xf32>
    %mul3A = vector.broadcast %get3A_8 : vector<400x1xf32> to vector<400x128xf32>
    %mul3A_9 = arith.mulf %dot_general3A_5, %mul3A : vector<400x128xf32>
    %swap3A = arith.constant 0 : index
    %swap3A_10 = arith.constant 0 : index
    %swap3A_11 = arith.constant 0 : index
    %swap3A_12 = vector.load %arg5[%swap3A, %swap3A_10, %swap3A_11] : memref<1x400x128xf32, #tpu.memory_space<vmem>>, vector<1x400x128xf32>
    %swap3A_13 = vector.shape_cast %swap3A_12 : vector<1x400x128xf32> to vector<400x128xf32>
    %swap3A_14 = vector.shape_cast %mul3A_9 : vector<400x128xf32> to vector<1x400x128xf32>
    tpu.vector_store %arg5[%swap3A, %swap3A_10, %swap3A_11], %swap3A_14 {strides = array<i32>} : memref<1x400x128xf32, #tpu.memory_space<vmem>>, vector<1x400x128xf32>,
    return
  }
  func.func @transform_0(%arg0: i32, %arg1: i32) -> (i32, i32) {
    %c0_i32 = arith.constant 0 : i32
    %c0_i32_0 = arith.constant 0 : i32
    return %arg0, %c0_i32 : i32, i32
  }
  func.func @transform_1(%arg0: i32, %arg1: i32) -> (i32, i32) {
    %c0_i32 = arith.constant 0 : i32
    %c0_i32_0 = arith.constant 0 : i32
    return %arg1, %c0_i32 : i32, i32
  }
  func.func @transform_2(%arg0: i32, %arg1: i32) -> (i32, i32) {
    %c0_i32 = arith.constant 0 : i32
    %c0_i32_0 = arith.constant 0 : i32
    return %arg0, %c0_i32 : i32, i32
  }
  func.func @transform_3(%arg0: i32, %arg1: i32) -> (i32, i32, i32) {
    %c0_i32 = arith.constant 0 : i32
    %c0_i32_0 = arith.constant 0 : i32
    return %arg1, %arg0, %c0_i32 : i32, i32, i32
  }
}

module attributes {stable_mosaic.version = 14 : i64} {
  func.func @_fin_body(%arg0: i32, %arg1: memref<1x400x128xf32, #tpu.memory_space<vmem>>, %arg2: memref<1x400x128xf32, #tpu.memory_space<vmem>>, %arg3: memref<400x1xf32, #tpu.memory_space<vmem>>, %arg4: memref<1x256xf32, #tpu.memory_space<vmem>>, %arg5: memref<400x256xf32, #tpu.memory_space<vmem>>) attributes {dimension_semantics = [#tpu.dimension_semantics<arbitrary>], iteration_bounds = array<i64: 25>, scalar_prefetch = 0 : i64, scratch_operands = 0 : i64, tpu.core_type = #tpu.core_type<tc>, window_params = [{transform_indices = @transform_0, window_bounds = array<i64: 1, 400, 128>}, {transform_indices = @transform_1, window_bounds = array<i64: 1, 400, 128>}, {transform_indices = @transform_2, window_bounds = array<i64: 400, 1>}, {pipeline_mode = #tpu.pipeline_mode<synchronous>, transform_indices = @transform_3, window_bounds = array<i64: 1, 256>}, {transform_indices = @transform_4, window_bounds = array<i64: 400, 256>}]} {
    %get3A = arith.constant 0 : index
    %get3A_0 = arith.constant 0 : index
    %get3A_1 = arith.constant 0 : index
    %get3A_2 = vector.load %arg1[%get3A, %get3A_0, %get3A_1] : memref<1x400x128xf32, #tpu.memory_space<vmem>>, vector<1x400x128xf32>
    %get3A_3 = vector.shape_cast %get3A_2 : vector<1x400x128xf32> to vector<400x128xf32>
    %get3A_4 = arith.constant 0 : index
    %get3A_5 = arith.constant 0 : index
    %get3A_6 = arith.constant 0 : index
    %get3A_7 = vector.load %arg2[%get3A_4, %get3A_5, %get3A_6] : memref<1x400x128xf32, #tpu.memory_space<vmem>>, vector<1x400x128xf32>
    %get3A_8 = vector.shape_cast %get3A_7 : vector<1x400x128xf32> to vector<400x128xf32>
    %concatenate3A = tpu.concatenate %get3A_3, %get3A_8 in 1 : vector<400x128xf32>, vector<400x128xf32> -> vector<400x256xf32>
    %get3A_9 = arith.constant 0 : index
    %get3A_10 = arith.constant 0 : index
    %get3A_11 = vector.load %arg3[%get3A_9, %get3A_10] : memref<400x1xf32, #tpu.memory_space<vmem>>, vector<400x1xf32>
    %mul3A = vector.broadcast %get3A_11 : vector<400x1xf32> to vector<400x256xf32>
    %mul3A_12 = arith.mulf %concatenate3A, %mul3A : vector<400x256xf32>
    %get3A_13 = arith.constant 0 : index
    %get3A_14 = arith.constant 0 : index
    %get3A_15 = vector.load %arg4[%get3A_13, %get3A_14] : memref<1x256xf32, #tpu.memory_space<vmem>>, vector<1x256xf32>
    %add3A = vector.broadcast %get3A_15 : vector<1x256xf32> to vector<400x256xf32>
    %add3A_16 = arith.addf %mul3A_12, %add3A : vector<400x256xf32>
    %swap3A = arith.constant 0 : index
    %swap3A_17 = arith.constant 0 : index
    %swap3A_18 = vector.load %arg5[%swap3A, %swap3A_17] : memref<400x256xf32, #tpu.memory_space<vmem>>, vector<400x256xf32>
    tpu.vector_store %arg5[%swap3A, %swap3A_17], %add3A_16 {strides = array<i32>} : memref<400x256xf32, #tpu.memory_space<vmem>>, vector<400x256xf32>,
    return
  }
  func.func @transform_0(%arg0: i32) -> (i32, i32, i32) {
    %c0_i32 = arith.constant 0 : i32
    %c0_i32_0 = arith.constant 0 : i32
    %c0_i32_1 = arith.constant 0 : i32
    return %c0_i32, %arg0, %c0_i32_0 : i32, i32, i32
  }
  func.func @transform_1(%arg0: i32) -> (i32, i32, i32) {
    %c1_i32 = arith.constant 1 : i32
    %c0_i32 = arith.constant 0 : i32
    %c0_i32_0 = arith.constant 0 : i32
    return %c1_i32, %arg0, %c0_i32 : i32, i32, i32
  }
  func.func @transform_2(%arg0: i32) -> (i32, i32) {
    %c0_i32 = arith.constant 0 : i32
    %c0_i32_0 = arith.constant 0 : i32
    return %arg0, %c0_i32 : i32, i32
  }
  func.func @transform_3(%arg0: i32) -> (i32, i32) {
    %c0_i32 = arith.constant 0 : i32
    %c0_i32_0 = arith.constant 0 : i32
    %c0_i32_1 = arith.constant 0 : i32
    return %c0_i32, %c0_i32_0 : i32, i32
  }
  func.func @transform_4(%arg0: i32) -> (i32, i32) {
    %c0_i32 = arith.constant 0 : i32
    %c0_i32_0 = arith.constant 0 : i32
    return %arg0, %c0_i32 : i32, i32
  }
}

</mosaic_0001>

<sc_bundles>
// kernel: kernel.6.cloned.1.call-start
scs
__scs_entry_jumppad:
0x0: {  	(pc) =	sbr.rel $0x88, $3  }
0x1: {  	(tag) =	ssettag $0x0;
	lr =	simm.s32 $0x1  }
0x2: {  	[smem:$0x3F9D] =	sst lr;
	_ =	strace $0xD0000000  }
0x3: {  	_ = 	snop  }
0x4: {  	_ = 	snop  }
0x5: {  	_ = 	snop  }
0x6: {  	_ = 	snop  }
0x7: {  	_ = 	snop  }
__scs_overlays_trampoline_lowered:
0x8: {  	[smem:$0x3FAC] =	sst s0  }
0x9: {  	[smem:$0x3FAD] =	sst s1  }
0xa: {  	[smem:$0x3FAE] =	sst s2  }
0xb: {  	[smem:$0x3FAF] =	sst s3  }
0xc: {  	[smem:$0x3FB0] =	sst s4  }
0xd: {  	[smem:$0x3FB1] =	sst s5  }
0xe: {  	[smem:$0x3FB2] =	sst s6  }
0xf: {  	[smem:$0x3FB3] =	sst s7  }
0x10: {  	[smem:$0x3FB4] =	sst s8  }
0x11: {  	[smem:$0x3FB5] =	sst s9;
	s0 =	simm.s32 @!p0 $0x0  }
0x12: {  	s1 =	sld [smem:$0x3F9B];
	s0 =	simm.s32 @p0 $0x1  }
0x13: {  	[smem:$0x3FB6] =	sst s0;
	s0 =	simm.s32 @!p1 $0x0  }
0x14: {  	s2 =	sld [smem:$0x3F9A];
	s0 =	simm.s32 @p1 $0x1  }
0x15: {  	[smem:$0x3FB7] =	sst s0;
	s0 =	simm.s32 @!p2 $0x0  }
0x16: {  	s3 =	sld [smem:$0x3FDB];
	s0 =	simm.s32 @p2 $0x1  }
0x17: {  	s4 =	simm.s32 $0x1BF5;
	[smem:$0x3FB9] =	sst s0  }
0x18: {  	s0 =	sld [smem:$0x3F9C];
	_ =	swait.ge [sflag:s4], $0x0  }
0x19: {  	s7 =	sld [smem:$0x3F9D]  }
0x1a: {  	s8 =	sadd.s32 $0xFFFFE003, lr  }
0x1b: {  	s9 =	sadd.s32 $0xFFFFFEF7, lr;
	s5 =	simm.s32 $0xFFFFFFFF;
	p2 =	slt.u32 s8, $0xFFFFF086  }
0x1c: {  	p1 =	slt.u32 s9, $0xF7A;
	s5 =	simm.s32 @!p2 $0x0  }
0x1d: {  	s5 =	simm.s32 @p1 $0x1;
	p0 =	seq.s32 s7, s2  }
0x1e: {  	s7 =	smul.u32 @!p0 $0xF7A, s2;
	p2 =	seq.s32 @!p0 s5, $0x0  }
0x1f: {  	s9 =	smul.u32 $0xF7A, s1;
	s8 =	simm.s32 @!p0 $0x1BF5;
	p2 =	por !p2, p0  }
0x20: {  	[sflag:s8] =	ssyncset.s32 @!p0 $0xFFFFF086;
	s6 =	sadd.s32 @!p0 s3, s7;
	s7 =	simm.s32 @!p0 $0x108  }
0x21: {  	s3 =	sadd.s32 s3, s9;
	s6 =	sadd.s32 @!p0 $0x88, s6;
	s7 =	simm.s32 @p2 $0x1082  }
0x22: {  	[simem:s7], [sflag:s8] =	dma.local @!p0 [hbm:s6], $0xF7A  }
0x23: {  	s9 =	sor.u32 $0xD0000000, s2;
	s6 =	simm.s32 $0x108;
	_ =	swait.ge @!p0 [sflag:s8], $0x0  }
0x24: {  	s3 =	sadd.s32 $0x88, s3;
	s6 =	simm.s32 @!p1 $0x1082;
	[sflag:s4] =	ssyncset.s32 $0xFFFFF086  }
0x25: {  	[simem:s6], [sflag:s4] =	dma.local [hbm:s3], $0xF7A  }
0x26: {  	[smem:$0x3F9D] =	sst s1;
	(tag) =	ssettag s2;
	_ =	strace s9  }
0x27: {  	s1 =	sld [smem:$0x3FAD]  }
0x28: {  	s2 =	sld [smem:$0x3FAE]  }
0x29: {  	s4 =	sld [smem:$0x3FB0]  }
0x2a: {  	p0 =	seq.s32 s5, $0x0;
	s5 =	sld [smem:$0x3FB1]  }
0x2b: {  	s6 =	sld [smem:$0x3FB2]  }
0x2c: {  	s7 =	sld [smem:$0x3FB3]  }
0x2d: {  	s3 =	simm.s32 $0x108;
	s8 =	sld [smem:$0x3FB4]  }
0x2e: {  	s3 =	simm.s32 @!p0 $0x1082;
	s9 =	sld [smem:$0x3FB5]  }
0x2f: {  	lr =	sadd.s32 s0, s3;
	s0 =	sld [smem:$0x3FAC]  }
0x30: {  	s3 =	sld [smem:$0x3FAF]  }
0x31: {  	[smem:$0x3FB8] =	sst s10  }
0x32: {  	s10 =	sld [smem:$0x3FB6];
	_ =	sdelay $0x3  }
0x33: {  	p0 =	seq.s32 s10, $0x1;
	s10 =	sld [smem:$0x3FB8];
	_ =	sdelay $0x3  }
0x34: {  	[smem:$0x3FB8] =	sst s10  }
0x35: {  	s10 =	sld [smem:$0x3FB7];
	_ =	sdelay $0x3  }
0x36: {  	p1 =	seq.s32 s10, $0x1;
	s10 =	sld [smem:$0x3FB8];
	_ =	sdelay $0x3  }
0x37: {  	[smem:$0x3FB8] =	sst s10  }
0x38: {  	s10 =	sld [smem:$0x3FB9]  }
0x39: {  	_ = 	snop;
	(pc) =	sbr.ind lr, $3  }
0x3a: {  	_ = 	snop  }
0x3b: {  	_ = 	snop  }
0x3c: {  	p2 =	seq.s32 s10, $0x1;
	s10 =	sld [smem:$0x3FB8]  }
0x3d: {  	_ =	shalt  }
0x3e: {  	_ =	shalt  }
0x3f: {  	_ =	shalt  }
0x40: {  	_ =	shalt  }
0x41: {  	_ =	shalt  }
0x42: {  	_ =	shalt  }
0x43: {  	_ =	shalt  }
0x44: {  	_ =	shalt  }
0x45: {  	_ =	shalt  }
0x46: {  	_ =	shalt  }
0x47: {  	_ =	shalt  }
0x48: {  	_ =	shalt  }
0x49: {  	_ =	shalt  }
0x4a: {  	_ =	shalt  }
0x4b: {  	_ =	shalt  }
0x4c: {  	_ =	shalt  }
0x4d: {  	_ =	shalt  }
0x4e: {  	_ =	shalt  }
0x4f: {  	_ =	shalt  }
0x50: {  	_ =	shalt  }
0x51: {  	_ =	shalt  }
0x52: {  	_ =	shalt  }
0x53: {  	_ =	shalt  }
0x54: {  	_ =	shalt  }
0x55: {  	_ =	shalt  }
0x56: {  	_ =	shalt  }
0x57: {  	_ =	shalt  }
0x58: {  	_ =	shalt  }
0x59: {  	_ =	shalt  }
0x5a: {  	_ =	shalt  }
0x5b: {  	_ =	shalt  }
0x5c: {  	_ =	shalt  }
0x5d: {  	_ =	shalt  }
0x5e: {  	_ =	shalt  }
0x5f: {  	_ =	shalt  }
0x60: {  	_ =	shalt  }
0x61: {  	_ =	shalt  }
0x62: {  	_ =	shalt  }
0x63: {  	_ =	shalt  }
0x64: {  	_ =	shalt  }
0x65: {  	_ =	shalt  }
0x66: {  	_ =	shalt  }
0x67: {  	_ =	shalt  }
0x68: {  	_ =	shalt  }
0x69: {  	_ =	shalt  }
0x6a: {  	_ =	shalt  }
0x6b: {  	_ =	shalt  }
0x6c: {  	_ =	shalt  }
0x6d: {  	_ =	shalt  }
0x6e: {  	_ =	shalt  }
0x6f: {  	_ =	shalt  }
0x70: {  	_ =	shalt  }
0x71: {  	_ =	shalt  }
0x72: {  	_ =	shalt  }
0x73: {  	_ =	shalt  }
0x74: {  	_ =	shalt  }
0x75: {  	_ =	shalt  }
0x76: {  	_ =	shalt  }
0x77: {  	_ =	shalt  }
0x78: {  	_ =	shalt  }
0x79: {  	_ =	shalt  }
0x7a: {  	_ =	shalt  }
0x7b: {  	_ =	shalt  }
0x7c: {  	_ =	shalt  }
0x7d: {  	_ =	shalt  }
0x7e: {  	_ =	shalt  }
0x7f: {  	_ =	shalt  }
0x80: {  	_ =	shalt  }
0x81: {  	_ =	shalt  }
0x82: {  	_ =	shalt  }
0x83: {  	_ =	shalt  }
0x84: {  	_ =	shalt  }
0x85: {  	_ =	shalt  }
0x86: {  	_ =	shalt  }
0x87: {  	_ =	shalt  }
.Lfunc_end0:
.L_simem_size_0:
called_computation_lowered:
.L_overlay_start_0:
0x88: {  	s2 =	sld [smem:$0x3FD9]  }
0x89: {  	s3 =	sld [smem:$0x3FFE];
	_ =	sdelay $0x1  }
0x8a: {  	s1 =	srdreg.scid  }
0x8b: {  	s0 =	sand.u32 $0x1, s1  }
0x8c: {  	s17 =	sshll.u32 s0, $0xA;
	s2 =	sadd.s32 s3, s2  }
0x8d: {  	s2 =	sadd.s32 s2, s17  }
0x8e: {  	[smem:$0x3FC4] =	sst s2  }
0x8f: {  	_ = 	snop  }
0x90: {  	s2 =	sld [smem:$0x3FD0];
	(tm) =	ssettm $0x1  }
0x91: {  	s18 =	sld [smem:$0x3FFB];
	_ =	sdelay $0x3  }
0x92: {  	_ =	strace s18  }
0x93: {  	s3 =	sld [smem:$0x3FFC];
	_ =	sdelay $0x3  }
0x94: {  	_ =	strace s3  }
0x95: {  	s3 =	sld [smem:$0x3FFD];
	_ =	sdelay $0x3  }
0x96: {  	_ =	strace s3  }
0x97: {  	_ =	strace $0x8FFFFFFF  }
0x98: {  	s19 =	sld [smem:$0x3FDB];
	_ =	sdelay $0x1  }
0x99: {  	s4 =	simm.s32 $_scs_section_size  }
0x9a: {  	s5 =	simm.s32 $_size__tile_overlayer_lowered;
	s6 =	simm.s32 $_tile_overlayer_lowered  }
0x9b: {  	s22 =	simm.s32 $0x1BFF;
	s21 =	sshll.u32 s6, $0x1;
	s3 =	sadd.s32 s4, s19  }
0x9c: {  	s7 =	simm.s32 $0x0;
	s20 =	sshll.u32 s5, $0x1;
	s5 =	sadd.s32 s21, s3  }
0x9d: {  	[timem:s7], [sflag:s22] =	dma.local [hbm:s5], s20  }
0x9e: {  	_ =	swait.ge [sflag:s22], s20  }
0x9f: {  	s4 =	ssub.s32 $0x0, s20;
	[sflag:s22] =	ssyncset.done $0x0  }
0xa0: {  	[sflag:s22] =	ssyncadd.s32 s4;
	_ =	sdelay $0x1  }
0xa1: {  	s23 =	simm.s32 $0x1B8B  }
0xa2: {  	_ =	swait.ge [sflag:s23], $0x1  }
0xa3: {  	[sflag:s23] =	ssyncset.done $0x0  }
0xa4: {  	s25 =	simm.s32 $0x1B8E;
	s24 =	sld [smem:$0x3FFE];
	[sflag:s23] =	ssyncadd.s32 $0xFFFFFFFF  }
0xa5: {  	s26 =	simm.s32 $execute0_lowered;
	[smem:$0x3FD2] =	sst s25  }
0xa6: {  	s5 =	sshll.u32 s26, $0x1;
	_ =	strace $0x80000046;
	[dreg:$0x1] =	wrdreg $0xFFFFFFFF  }
0xa7: {  	s28 =	simm.s32 $_size_execute0_lowered;
	s3 =	sadd.s32 s3, s5;
	[dreg:$0x0] =	wrdreg $0x0  }
0xa8: {  	s5 =	sshll.u32 s28, $0x1;
	[dreg:$0x2] =	wrdreg s3  }
0xa9: {  	[dreg:$0x3] =	wrdreg s5  }
0xaa: {  	[dreg:$0x4] =	wrdreg $0xC0  }
0xab: {  	_ =	task [dreg:s7], $0x5FFFF  }
0xac: {  	[dreg:$0x1] =	wrdreg $0xFFFFFFFF  }
0xad: {  	[dreg:$0x0] =	wrdreg $0x60  }
0xae: {  	[dreg:$0x2] =	wrdreg s24  }
0xaf: {  	[dreg:$0x3] =	wrdreg s2  }
0xb0: {  	[dreg:$0x4] =	wrdreg $0x2B000  }
0xb1: {  	[dreg:$0x5] =	wrdreg $0x9  }
0xb2: {  	_ =	task.clear_ibuf [dreg:s7], $0x6FFFF;
	_ =	strace $0x90000046  }
0xb3: {  	s29 =	simm.s32 $0x9;
	_ =	strace $0x80000048  }
0xb4: {  	_ =	swait.ge [sflag:s29], $0x1  }
0xb5: {  	[sflag:s29] =	ssyncadd.s32 $0xFFFFFFFF  }
0xb6: {  	_ =	strace $0x90000048  }
0xb7: {  	_ =	sfence  }
0xb8: {  	s30 =	sld [smem:$0x0];
	_ =	sdelay $0x2  }
0xb9: {  	s31 =	sshll.u32 s1, $0xD;
	s1 =	sshrl.u32 s1, $0x2  }
0xba: {  	s3 =	sand.u32 $0x4000, s31;
	s1 =	sadd.s32 s1, s30  }
0xbb: {  	s0 =	sor.u32 s3, s0;
	s1 =	sshll.u32 s1, $0x11  }
0xbc: {  	s0 =	sor.u32 s1, s0  }
0xbd: {  	s0 =	sadd.s32 $0x8F2B, s0  }
0xbe: {  	[sflag:s0] =	ssyncadd.remote.s32 $0x1  }
0xbf: {  	_ =	sfence.sel $0xFFFF  }
0xc0: {  	[dreg:$0x0] =	wrdreg $0xFFFFFFFF;
	(pc) =	sbr.abs _section_cstart, $3  }
0xc1: {  	[dreg:$0x1] =	wrdreg $0xFFFFFFFF  }
0xc2: {  	_ =	task.clear_ibuf [dreg:s7], $0x2FFFF;
	_ =	strace $0x9FFFFFFF  }
0xc3: {  	(tm) =	ssettm $0x7FFFFFFF  }
tec
execute0_lowered:
.L_overlay_start_1:
0x0: {  	(tag) =	ssettag $0x1  }
0x1: {  	s4 =	rddreg [dreg:$0x0]  }
0x2: {  	s7 =	rddreg [dreg:$0x1]  }
0x3: {  	s2 =	rddreg [dreg:$0x2]  }
0x4: {  	s0 =	rddreg [dreg:$0x3];
	s1 =	stileid.u32  }
0x5: {  	s5 =	srdreg.scid;
	s3 =	simm.s32 $0x0;
	s11 =	simm.s32 $0x80  }
0x6: {  	s12 =	simm.s32 $0x2800;
	s13 =	simm.s32 $0x0;
	s6 =	smul.u32 $0x500, s1  }
0x7: {  	s5 =	sand.u32 $0x1, s5;
	[smem:$0x7FF] =	sst s3;
	s9 =	smul.u32 $0x278, s1  }
0x8: {  	p1 =	sne.s32 s1, $0xF;
	p2 =	seq.s32 s1, $0xF;
	s8 =	ssub.s32 $0x2, s5  }
0x9: {  	_ =	strace $0x80000047;
	p0 =	seq.s32 s5, $0x0;
	s10 =	sshrl.u32 s8, $0x1  }
0xa: {  	s6 =	sadd.s32 s6, s4;
	s4 =	sadd.s32 s9, s2;
	p1 =	por !p0, !p1  }
0xb: {  	p2 =	por !p0, !p2;
	s9 =	sshrl.u32 s9, $0x3;
	s8 =	ssub.s32 s8, s10  }
0xc: {  	s5 =	sadd.s32 $0x800, s6;
	p0 =	por !p1, !p1;
	p6 =	por !p2, !p2  }
0xd: {  	s6 =	sadd.s32 $0x4A1, s7;
	s7 =	sadd.s32 s7, s9;
	s9 =	simm.s32 $0x2880  }
0xe: {  	v0 =	vimm.f32 $0.0e+00;
	v1 =	vimm.f32 $1.000000000e+00;
	s10 =	simm.s32 $0x1;
	s8 =	smax.u32 s8, $0x1;
	p1 =	por !p6, p0  }
.LBB2_1:
0xf: {  	[tilespmem:$0x2880] =	vst v0  }
0x10: {  	[tilespmem:$0x2890] =	vst v0  }
0x11: {  	[tilespmem:$0x28A0] =	vst v0  }
0x12: {  	[tilespmem:$0x28B0] =	vst v0  }
0x13: {  	[tilespmem:$0x28C0] =	vst v0  }
0x14: {  	[tilespmem:$0x28D0] =	vst v0  }
0x15: {  	[tilespmem:$0x28E0] =	vst v0  }
0x16: {  	[tilespmem:$0x28F0] =	vst v0  }
0x17: {  	[tilespmem:$0x2900] =	vst v0  }
0x18: {  	[tilespmem:$0x2910] =	vst v0  }
0x19: {  	[tilespmem:$0x2920] =	vst v0  }
0x1a: {  	[tilespmem:$0x2930] =	vst v0  }
0x1b: {  	[tilespmem:$0x2940] =	vst v0  }
0x1c: {  	[tilespmem:$0x2950] =	vst v0  }
0x1d: {  	[tilespmem:$0x2960] =	vst v0  }
0x1e: {  	[tilespmem:$0x2970] =	vst v0  }
0x1f: {  	[tilespmem:$0x2980] =	vst v0  }
0x20: {  	[tilespmem:$0x2990] =	vst v0  }
0x21: {  	[tilespmem:$0x29A0] =	vst v0  }
0x22: {  	[tilespmem:$0x29B0] =	vst v0  }
0x23: {  	[tilespmem:$0x29C0] =	vst v0  }
0x24: {  	[tilespmem:$0x29D0] =	vst v0  }
0x25: {  	[tilespmem:$0x29E0] =	vst v0  }
0x26: {  	[tilespmem:$0x29F0] =	vst v0  }
0x27: {  	[tilespmem:$0x2A00] =	vst v0  }
0x28: {  	[tilespmem:$0x2A10] =	vst v0  }
0x29: {  	[tilespmem:$0x2A20] =	vst v0  }
0x2a: {  	[tilespmem:$0x2A30] =	vst v0  }
0x2b: {  	[tilespmem:$0x2A40] =	vst v0  }
0x2c: {  	[tilespmem:$0x2A50] =	vst v0  }
0x2d: {  	[tilespmem:$0x2A60] =	vst v0  }
0x2e: {  	[tilespmem:$0x2A70] =	vst v0  }
0x2f: {  	[tilespmem:$0x2A80] =	vst v0  }
0x30: {  	[tilespmem:$0x2A90] =	vst v0  }
0x31: {  	[tilespmem:$0x2AA0] =	vst v0  }
0x32: {  	[tilespmem:$0x2AB0] =	vst v0  }
0x33: {  	[tilespmem:$0x2AC0] =	vst v0  }
0x34: {  	[tilespmem:$0x2AD0] =	vst v0  }
0x35: {  	[tilespmem:$0x2AE0] =	vst v0  }
0x36: {  	[tilespmem:$0x2AF0] =	vst v0  }
0x37: {  	[tilespmem:$0x2800] =	vst v1  }
0x38: {  	[tilespmem:$0x2810] =	vst v1  }
0x39: {  	[tilespmem:$0x2820] =	vst v1  }
0x3a: {  	[tilespmem:$0x2830] =	vst v1  }
0x3b: {  	[tilespmem:$0x2840] =	vst v1  }
0x3c: {  	[tilespmem:$0x2850] =	vst v1  }
0x3d: {  	[tilespmem:$0x2860] =	vst v1  }
0x3e: {  	[tilespmem:$0x2870] =	vst v1  }
0x3f: {  	[spmem:s4] =	stream.linear.scatter [tilespmem:s9], [sflag:$0x1], $0x278, $0x38;
	[tilespmem:$0x2D78] =	vst v63  }
0x40: {  	_ =	swait.ge [sflag:s10], $0x278  }
0x41: {  	[sflag:s10] =	ssyncset.done $0x0  }
0x42: {  	[sflag:s10] =	ssyncadd.s32 $0xFFFFFD88  }
0x43: {  	[tilespmem:s3], [sflag:$0x1] =	stream.linear.gather [hbm4b:s5+s3], $0x2800, $0x38;
	[tilespmem:$0x2D78] =	vst v63  }
0x44: {  	_ =	swait.ge [sflag:s10], $0x2800  }
0x45: {  	[sflag:s10] =	ssyncset.done $0x0  }
0x46: {  	[sflag:s10] =	ssyncadd.s32 $0xFFFFD800  }
0x47: {  	s14 =	simm.s32 $0x0;
	[bflag:$0x0] =	sbarrier.arrive $0xFFFF  }
0x48: {  	[spmem:s2] =	stream.indirect.scatter.add.f32 [tilespmem:s12], [sflag:$0x1], $0x1, s14, s11, $0xb8;
	[tilespmem:$0x2D78] =	vst v63  }
0x49: {  	_ =	swait.ge [sflag:s10], $0x80  }
0x4a: {  	s14 =	simm.s32 $0x200;
	[sflag:s10] =	ssyncset.done $0x0  }
.LBB2_2:
0x4b: {  	s15 =	sshra.s32 s14, $0x2;
	[sflag:s10] =	ssyncadd.s32 $0xFFFFFF80;
	p2 =	sne.s32 s14, $0x9E00  }
0x4c: {  	[spmem:s2] =	stream.indirect.scatter.add.f32 [tilespmem:s12], [sflag:$0x1], $0x1, s15, s11, $0xb8;
	[tilespmem:$0x2D78] =	vst v63  }
.Ltmp0:
0x4d: {  	_ = 	snop;
	(pc) =	sbr.rel @p2 .LBB2_2-.Ltmp0, $4  }
0x4e: {  	_ = 	snop  }
0x4f: {  	s14 =	sadd.s32 $0x200, s14  }
0x50: {  	_ =	swait.ge [sflag:s10], $0x80  }
0x51: {  	[sflag:s10] =	ssyncset.done $0x0  }
0x52: {  	[sflag:s10] =	ssyncadd.s32 $0xFFFFFF80  }
0x53: {  	[bflag:$0x0] =	sbarrier.arrive $0xFFFF  }
0x54: {  	[tilespmem:s9], [sflag:$0x1] =	stream.linear.gather [spmem:s4], $0x278, $0x38;
	[tilespmem:$0x2D78] =	vst v63  }
0x55: {  	_ =	swait.ge [sflag:s10], $0x278  }
0x56: {  	[sflag:s10] =	ssyncset.done $0x0  }
0x57: {  	s14 =	simm.s32 $0x0;
	s15 =	simm.s32 $0x40;
	[sflag:s10] =	ssyncadd.s32 $0xFFFFFD88  }
.LBB2_4:
0x58: {  	p2 =	sne.s32 s15, $0x9C0;
	v2 =	vld [tilespmem:s14+$0x2880];
	_ =	sdelay $0x4  }
0x59: {  	v2 =	vadd.f32 $1.000000000e+00, v2;
	_ =	sdelay $0x1  }
0x5a: {  	v3 =	vmul.f32 $0.0e+00, v2;
	_ =	sdelay $0x1  }
0x5b: {  	v2 =	vmul.f32 $5.000000000e-01, v2;
	v3 =	vadd.f32 $2.000000090e-03, v3;
	_ =	sdelay $0x1  }
0x5c: {  	v4 =	vmul.f32 v3, v2;
	_ =	sdelay $0x1  }
0x5d: {  	v4 =	vmul.f32 v4, v3;
	_ =	sdelay $0x1  }
0x5e: {  	v4 =	vsub.f32 $1.500000000e+00, v4;
	_ =	sdelay $0x1  }
0x5f: {  	v3 =	vmul.f32 v4, v3;
	_ =	sdelay $0x1  }
0x60: {  	v4 =	vmul.f32 v3, v2;
	_ =	sdelay $0x1  }
0x61: {  	v4 =	vmul.f32 v4, v3;
	_ =	sdelay $0x1  }
0x62: {  	v4 =	vsub.f32 $1.500000000e+00, v4;
	_ =	sdelay $0x1  }
0x63: {  	v3 =	vmul.f32 v4, v3;
	_ =	sdelay $0x1  }
0x64: {  	v4 =	vmul.f32 v3, v2;
	_ =	sdelay $0x1  }
0x65: {  	v4 =	vmul.f32 v4, v3;
	_ =	sdelay $0x1  }
0x66: {  	v4 =	vsub.f32 $1.500000000e+00, v4;
	_ =	sdelay $0x1  }
0x67: {  	v3 =	vmul.f32 v4, v3;
	_ =	sdelay $0x1  }
0x68: {  	v4 =	vmul.f32 v3, v2;
	_ =	sdelay $0x1  }
0x69: {  	v4 =	vmul.f32 v4, v3;
	_ =	sdelay $0x1  }
0x6a: {  	v4 =	vsub.f32 $1.500000000e+00, v4;
	_ =	sdelay $0x1  }
0x6b: {  	v3 =	vmul.f32 v4, v3;
	_ =	sdelay $0x1  }
0x6c: {  	v4 =	vmul.f32 v3, v2;
	_ =	sdelay $0x1  }
0x6d: {  	v4 =	vmul.f32 v4, v3;
	_ =	sdelay $0x1  }
0x6e: {  	v4 =	vsub.f32 $1.500000000e+00, v4;
	_ =	sdelay $0x1  }
0x6f: {  	v3 =	vmul.f32 v4, v3;
	_ =	sdelay $0x1  }
0x70: {  	v4 =	vmul.f32 v3, v2;
	_ =	sdelay $0x1  }
0x71: {  	v4 =	vmul.f32 v4, v3;
	_ =	sdelay $0x1  }
0x72: {  	v4 =	vsub.f32 $1.500000000e+00, v4;
	_ =	sdelay $0x1  }
0x73: {  	v3 =	vmul.f32 v4, v3;
	_ =	sdelay $0x1  }
0x74: {  	v4 =	vmul.f32 v3, v2;
	_ =	sdelay $0x1  }
0x75: {  	v4 =	vmul.f32 v4, v3;
	_ =	sdelay $0x1  }
0x76: {  	v4 =	vsub.f32 $1.500000000e+00, v4;
	_ =	sdelay $0x1  }
0x77: {  	v3 =	vmul.f32 v4, v3;
	_ =	sdelay $0x1  }
0x78: {  	v4 =	vmul.f32 v3, v2;
	_ =	sdelay $0x1  }
0x79: {  	v4 =	vmul.f32 v4, v3;
	_ =	sdelay $0x1  }
0x7a: {  	v4 =	vsub.f32 $1.500000000e+00, v4;
	_ =	sdelay $0x1  }
0x7b: {  	v3 =	vmul.f32 v4, v3;
	_ =	sdelay $0x1  }
0x7c: {  	v4 =	vmul.f32 v3, v2;
	_ =	sdelay $0x1  }
0x7d: {  	v4 =	vmul.f32 v4, v3;
	_ =	sdelay $0x1  }
0x7e: {  	v4 =	vsub.f32 $1.500000000e+00, v4;
	_ =	sdelay $0x1  }
0x7f: {  	v3 =	vmul.f32 v4, v3;
	_ =	sdelay $0x1  }
0x80: {  	v4 =	vmul.f32 v3, v2;
	_ =	sdelay $0x1  }
0x81: {  	v4 =	vmul.f32 v4, v3;
	_ =	sdelay $0x1  }
0x82: {  	v4 =	vsub.f32 $1.500000000e+00, v4;
	_ =	sdelay $0x1  }
0x83: {  	v3 =	vmul.f32 v4, v3;
	_ =	sdelay $0x1  }
0x84: {  	v4 =	vmul.f32 v3, v2;
	_ =	sdelay $0x1  }
0x85: {  	v4 =	vmul.f32 v4, v3;
	_ =	sdelay $0x1  }
0x86: {  	v4 =	vsub.f32 $1.500000000e+00, v4;
	_ =	sdelay $0x1  }
0x87: {  	v3 =	vmul.f32 v4, v3;
	_ =	sdelay $0x1  }
0x88: {  	v4 =	vmul.f32 v3, v2;
	_ =	sdelay $0x1  }
0x89: {  	v4 =	vmul.f32 v4, v3;
	_ =	sdelay $0x1  }
0x8a: {  	v4 =	vsub.f32 $1.500000000e+00, v4;
	_ =	sdelay $0x1  }
0x8b: {  	v3 =	vmul.f32 v4, v3;
	_ =	sdelay $0x1  }
0x8c: {  	v4 =	vmul.f32 v3, v2;
	_ =	sdelay $0x1  }
0x8d: {  	v4 =	vmul.f32 v4, v3;
	_ =	sdelay $0x1  }
0x8e: {  	v4 =	vsub.f32 $1.500000000e+00, v4;
	_ =	sdelay $0x1  }
0x8f: {  	v3 =	vmul.f32 v4, v3;
	_ =	sdelay $0x1  }
0x90: {  	v4 =	vmul.f32 v3, v2;
	_ =	sdelay $0x1  }
0x91: {  	v4 =	vmul.f32 v4, v3;
	_ =	sdelay $0x1  }
0x92: {  	v4 =	vsub.f32 $1.500000000e+00, v4;
	_ =	sdelay $0x1  }
0x93: {  	v3 =	vmul.f32 v4, v3;
	_ =	sdelay $0x1  }
0x94: {  	v4 =	vmul.f32 v3, v2;
	_ =	sdelay $0x1  }
0x95: {  	v4 =	vmul.f32 v4, v3;
	_ =	sdelay $0x1  }
0x96: {  	v4 =	vsub.f32 $1.500000000e+00, v4;
	_ =	sdelay $0x1  }
0x97: {  	v3 =	vmul.f32 v4, v3;
	_ =	sdelay $0x1  }
0x98: {  	v4 =	vmul.f32 v3, v2;
	_ =	sdelay $0x1  }
0x99: {  	v4 =	vmul.f32 v4, v3;
	_ =	sdelay $0x1  }
0x9a: {  	v4 =	vsub.f32 $1.500000000e+00, v4;
	_ =	sdelay $0x1  }
0x9b: {  	v3 =	vmul.f32 v4, v3;
	_ =	sdelay $0x1  }
0x9c: {  	v4 =	vmul.f32 v3, v2;
	_ =	sdelay $0x1  }
0x9d: {  	v4 =	vmul.f32 v4, v3;
	_ =	sdelay $0x1  }
0x9e: {  	v4 =	vsub.f32 $1.500000000e+00, v4;
	_ =	sdelay $0x1  }
0x9f: {  	v3 =	vmul.f32 v4, v3;
	_ =	sdelay $0x1  }
0xa0: {  	v4 =	vmul.f32 v3, v2;
	_ =	sdelay $0x1  }
0xa1: {  	v4 =	vmul.f32 v4, v3;
	_ =	sdelay $0x1  }
0xa2: {  	v4 =	vsub.f32 $1.500000000e+00, v4;
	_ =	sdelay $0x1  }
0xa3: {  	v3 =	vmul.f32 v4, v3;
	_ =	sdelay $0x1  }
0xa4: {  	v4 =	vmul.f32 v3, v2;
	_ =	sdelay $0x1  }
0xa5: {  	v4 =	vmul.f32 v4, v3;
	_ =	sdelay $0x1  }
0xa6: {  	v4 =	vsub.f32 $1.500000000e+00, v4;
	_ =	sdelay $0x1  }
0xa7: {  	v3 =	vmul.f32 v4, v3;
	_ =	sdelay $0x1  }
0xa8: {  	v4 =	vmul.f32 v3, v2;
	_ =	sdelay $0x1  }
0xa9: {  	v4 =	vmul.f32 v4, v3;
	_ =	sdelay $0x1  }
0xaa: {  	v4 =	vsub.f32 $1.500000000e+00, v4;
	_ =	sdelay $0x1  }
0xab: {  	v3 =	vmul.f32 v4, v3;
	_ =	sdelay $0x1  }
0xac: {  	v4 =	vmul.f32 v3, v2;
	_ =	sdelay $0x1  }
0xad: {  	v4 =	vmul.f32 v4, v3;
	_ =	sdelay $0x1  }
0xae: {  	v4 =	vsub.f32 $1.500000000e+00, v4;
	_ =	sdelay $0x1  }
0xaf: {  	v3 =	vmul.f32 v4, v3;
	_ =	sdelay $0x1  }
0xb0: {  	v2 =	vmul.f32 v3, v2;
	_ =	sdelay $0x1  }
0xb1: {  	v2 =	vmul.f32 v2, v3;
	_ =	sdelay $0x1  }
.Ltmp1:
0xb2: {  	v2 =	vsub.f32 $1.500000000e+00, v2;
	(pc) =	sbr.rel @p2 .LBB2_4-.Ltmp1, $3  }
0xb3: {  	_ = 	snop  }
0xb4: {  	v2 =	vmul.f32 v2, v3;
	_ =	sdelay $0x1  }
0xb5: {  	[tilespmem:s14+$0x2880] =	vst v2;
	s14 =	sshra.s32 s15, $0x2;
	s15 =	sadd.s32 $0x40, s15  }
0xb6: {  	v2 =	vld [tilespmem:s14+$0x2880];
	_ =	sdelay $0x4  }
0xb7: {  	v2 =	vadd.f32 $1.000000000e+00, v2;
	_ =	sdelay $0x1  }
0xb8: {  	v3 =	vmul.f32 $0.0e+00, v2;
	_ =	sdelay $0x1  }
0xb9: {  	v2 =	vmul.f32 $5.000000000e-01, v2;
	v3 =	vadd.f32 $2.000000090e-03, v3;
	_ =	sdelay $0x1  }
0xba: {  	v4 =	vmul.f32 v3, v2;
	_ =	sdelay $0x1  }
0xbb: {  	v4 =	vmul.f32 v4, v3;
	_ =	sdelay $0x1  }
0xbc: {  	v4 =	vsub.f32 $1.500000000e+00, v4;
	_ =	sdelay $0x1  }
0xbd: {  	v3 =	vmul.f32 v4, v3;
	_ =	sdelay $0x1  }
0xbe: {  	v4 =	vmul.f32 v3, v2;
	_ =	sdelay $0x1  }
0xbf: {  	v4 =	vmul.f32 v4, v3;
	_ =	sdelay $0x1  }
0xc0: {  	v4 =	vsub.f32 $1.500000000e+00, v4;
	_ =	sdelay $0x1  }
0xc1: {  	v3 =	vmul.f32 v4, v3;
	_ =	sdelay $0x1  }
0xc2: {  	v4 =	vmul.f32 v3, v2;
	_ =	sdelay $0x1  }
0xc3: {  	v4 =	vmul.f32 v4, v3;
	_ =	sdelay $0x1  }
0xc4: {  	v4 =	vsub.f32 $1.500000000e+00, v4;
	_ =	sdelay $0x1  }
0xc5: {  	v3 =	vmul.f32 v4, v3;
	_ =	sdelay $0x1  }
0xc6: {  	v4 =	vmul.f32 v3, v2;
	_ =	sdelay $0x1  }
0xc7: {  	v4 =	vmul.f32 v4, v3;
	_ =	sdelay $0x1  }
0xc8: {  	v4 =	vsub.f32 $1.500000000e+00, v4;
	_ =	sdelay $0x1  }
0xc9: {  	v3 =	vmul.f32 v4, v3;
	_ =	sdelay $0x1  }
0xca: {  	v4 =	vmul.f32 v3, v2;
	_ =	sdelay $0x1  }
0xcb: {  	v4 =	vmul.f32 v4, v3;
	_ =	sdelay $0x1  }
0xcc: {  	v4 =	vsub.f32 $1.500000000e+00, v4;
	_ =	sdelay $0x1  }
0xcd: {  	v3 =	vmul.f32 v4, v3;
	_ =	sdelay $0x1  }
0xce: {  	v4 =	vmul.f32 v3, v2;
	_ =	sdelay $0x1  }
0xcf: {  	v4 =	vmul.f32 v4, v3;
	_ =	sdelay $0x1  }
0xd0: {  	v4 =	vsub.f32 $1.500000000e+00, v4;
	_ =	sdelay $0x1  }
0xd1: {  	v3 =	vmul.f32 v4, v3;
	_ =	sdelay $0x1  }
0xd2: {  	v4 =	vmul.f32 v3, v2;
	_ =	sdelay $0x1  }
0xd3: {  	v4 =	vmul.f32 v4, v3;
	_ =	sdelay $0x1  }
0xd4: {  	v4 =	vsub.f32 $1.500000000e+00, v4;
	_ =	sdelay $0x1  }
0xd5: {  	v3 =	vmul.f32 v4, v3;
	_ =	sdelay $0x1  }
0xd6: {  	v4 =	vmul.f32 v3, v2;
	_ =	sdelay $0x1  }
0xd7: {  	v4 =	vmul.f32 v4, v3;
	_ =	sdelay $0x1  }
0xd8: {  	v4 =	vsub.f32 $1.500000000e+00, v4;
	_ =	sdelay $0x1  }
0xd9: {  	v3 =	vmul.f32 v4, v3;
	_ =	sdelay $0x1  }
0xda: {  	v4 =	vmul.f32 v3, v2;
	_ =	sdelay $0x1  }
0xdb: {  	v4 =	vmul.f32 v4, v3;
	_ =	sdelay $0x1  }
0xdc: {  	v4 =	vsub.f32 $1.500000000e+00, v4;
	_ =	sdelay $0x1  }
0xdd: {  	v3 =	vmul.f32 v4, v3;
	_ =	sdelay $0x1  }
0xde: {  	v4 =	vmul.f32 v3, v2;
	_ =	sdelay $0x1  }
0xdf: {  	v4 =	vmul.f32 v4, v3;
	_ =	sdelay $0x1  }
0xe0: {  	v4 =	vsub.f32 $1.500000000e+00, v4;
	_ =	sdelay $0x1  }
0xe1: {  	v3 =	vmul.f32 v4, v3;
	_ =	sdelay $0x1  }
0xe2: {  	v4 =	vmul.f32 v3, v2;
	_ =	sdelay $0x1  }
0xe3: {  	v4 =	vmul.f32 v4, v3;
	_ =	sdelay $0x1  }
0xe4: {  	v4 =	vsub.f32 $1.500000000e+00, v4;
	_ =	sdelay $0x1  }
0xe5: {  	v3 =	vmul.f32 v4, v3;
	_ =	sdelay $0x1  }
0xe6: {  	v4 =	vmul.f32 v3, v2;
	_ =	sdelay $0x1  }
0xe7: {  	v4 =	vmul.f32 v4, v3;
	_ =	sdelay $0x1  }
0xe8: {  	v4 =	vsub.f32 $1.500000000e+00, v4;
	_ =	sdelay $0x1  }
0xe9: {  	v3 =	vmul.f32 v4, v3;
	_ =	sdelay $0x1  }
0xea: {  	v4 =	vmul.f32 v3, v2;
	_ =	sdelay $0x1  }
0xeb: {  	v4 =	vmul.f32 v4, v3;
	_ =	sdelay $0x1  }
0xec: {  	v4 =	vsub.f32 $1.500000000e+00, v4;
	_ =	sdelay $0x1  }
0xed: {  	v3 =	vmul.f32 v4, v3;
	_ =	sdelay $0x1  }
0xee: {  	v4 =	vmul.f32 v3, v2;
	_ =	sdelay $0x1  }
0xef: {  	v4 =	vmul.f32 v4, v3;
	_ =	sdelay $0x1  }
0xf0: {  	v4 =	vsub.f32 $1.500000000e+00, v4;
	_ =	sdelay $0x1  }
0xf1: {  	v3 =	vmul.f32 v4, v3;
	_ =	sdelay $0x1  }
0xf2: {  	v4 =	vmul.f32 v3, v2;
	_ =	sdelay $0x1  }
0xf3: {  	v4 =	vmul.f32 v4, v3;
	_ =	sdelay $0x1  }
0xf4: {  	v4 =	vsub.f32 $1.500000000e+00, v4;
	_ =	sdelay $0x1  }
0xf5: {  	v3 =	vmul.f32 v4, v3;
	_ =	sdelay $0x1  }
0xf6: {  	v4 =	vmul.f32 v3, v2;
	_ =	sdelay $0x1  }
0xf7: {  	v4 =	vmul.f32 v4, v3;
	_ =	sdelay $0x1  }
0xf8: {  	v4 =	vsub.f32 $1.500000000e+00, v4;
	_ =	sdelay $0x1  }
0xf9: {  	v3 =	vmul.f32 v4, v3;
	_ =	sdelay $0x1  }
0xfa: {  	v4 =	vmul.f32 v3, v2;
	_ =	sdelay $0x1  }
0xfb: {  	v4 =	vmul.f32 v4, v3;
	_ =	sdelay $0x1  }
0xfc: {  	v4 =	vsub.f32 $1.500000000e+00, v4;
	_ =	sdelay $0x1  }
0xfd: {  	v3 =	vmul.f32 v4, v3;
	_ =	sdelay $0x1  }
0xfe: {  	v4 =	vmul.f32 v3, v2;
	_ =	sdelay $0x1  }
0xff: {  	v4 =	vmul.f32 v4, v3;
	_ =	sdelay $0x1  }
0x100: {  	v4 =	vsub.f32 $1.500000000e+00, v4;
	_ =	sdelay $0x1  }
0x101: {  	v3 =	vmul.f32 v4, v3;
	_ =	sdelay $0x1  }
0x102: {  	v4 =	vmul.f32 v3, v2;
	_ =	sdelay $0x1  }
0x103: {  	v4 =	vmul.f32 v4, v3;
	_ =	sdelay $0x1  }
0x104: {  	v4 =	vsub.f32 $1.500000000e+00, v4;
	_ =	sdelay $0x1  }
0x105: {  	v3 =	vmul.f32 v4, v3;
	_ =	sdelay $0x1  }
0x106: {  	v4 =	vmul.f32 v3, v2;
	_ =	sdelay $0x1  }
0x107: {  	v4 =	vmul.f32 v4, v3;
	_ =	sdelay $0x1  }
0x108: {  	v4 =	vsub.f32 $1.500000000e+00, v4;
	_ =	sdelay $0x1  }
0x109: {  	v3 =	vmul.f32 v4, v3;
	_ =	sdelay $0x1  }
0x10a: {  	v4 =	vmul.f32 v3, v2;
	_ =	sdelay $0x1  }
0x10b: {  	v4 =	vmul.f32 v4, v3;
	_ =	sdelay $0x1  }
0x10c: {  	v4 =	vsub.f32 $1.500000000e+00, v4;
	_ =	sdelay $0x1  }
0x10d: {  	v3 =	vmul.f32 v4, v3;
	_ =	sdelay $0x1  }
0x10e: {  	v2 =	vmul.f32 v3, v2;
	_ =	sdelay $0x1  }
0x10f: {  	v2 =	vmul.f32 v2, v3;
	_ =	sdelay $0x1  }
0x110: {  	v2 =	vsub.f32 $1.500000000e+00, v2;
	_ =	sdelay $0x1  }
0x111: {  	v2 =	vmul.f32 v2, v3;
	_ =	sdelay $0x1  }
0x112: {  	s15 =	simm.s32 @!p1 $0x2880;
	[tilespmem:s14+$0x2880] =	vst v2;
	s14 =	simm.s32 @!p1 $0x0  }
0x113: {  	[hbm4b:s6+s14] =	stream.linear.scatter @!p1 [tilespmem:s15], [sflag:$0x1], $0x208, $0x38;
	[tilespmem:$0x2D78] =	vst v63  }
0x114: {  	s14 =	simm.s32 @!p1 $0x1  }
0x115: {  	s13 =	sadd.s32 $0x1, s13;
	_ =	swait.ge @!p1 [sflag:s14], $0x208  }
0x116: {  	p2 =	sne.s32 s13, s8;
	[sflag:s14] =	ssyncset.done @!p1 $0x0  }
0x117: {  	s15 =	simm.s32 @p0 $0x2880;
	[sflag:s14] =	ssyncadd.s32 @!p1 $0xFFFFFDF8;
	s14 =	simm.s32 @p0 $0x0  }
0x118: {  	[hbm4b:s7+s14] =	stream.linear.scatter @p0 [tilespmem:s15], [sflag:$0x1], $0x278, $0x38;
	[tilespmem:$0x2D78] =	vst v63  }
.Ltmp2:
0x119: {  	_ = 	snop;
	(pc) =	sbr.rel @p2 .LBB2_1-.Ltmp2, $4  }
0x11a: {  	s14 =	simm.s32 @p0 $0x1  }
0x11b: {  	_ =	swait.ge @p0 [sflag:s14], $0x278  }
0x11c: {  	[sflag:s14] =	ssyncset.done @p0 $0x0  }
0x11d: {  	[sflag:s14] =	ssyncadd.s32 @p0 $0xFFFFFD88  }
0x11e: {  	_ =	sfence.sel $0x180000  }
0x11f: {  	[bflag:$0x0] =	sbarrier.arrive $0xFFFF  }
0x120: {  	p0 =	sne.s32 s1, $0x0;
	_ =	strace $0x90000047  }
0x121: {  	s0 =	sadd.s32 @!p0 $0x100000, s0;
	[bflag:$0x2] =	sbarrier.arrive $0xFFFF  }
0x122: {  	[sflag:s0] =	ssyncadd.tile.s32 @!p0 $0x1;
	_ =	shalt  }
.Lfunc_end2:
_tile_overlayer_lowered:
.L_overlay_start_2:
0x123: {  	(tag) =	ssettag $0x2  }
0x124: {  	s0 =	rddreg [dreg:$0x0];
	s2 =	stileid.u32  }
0x125: {  	s1 =	rddreg [dreg:$0x1];
	p0 =	sne.s32 s2, $0x0  }
0x126: {  	s3 =	rddreg [dreg:$0x2];
	[bflag:$0x3] =	sbarrier.arrive $0xFFFF;
	s2 =	simm.s32 @!p0 $0x1C01  }
0x127: {  	[timem:s3], [sflag:s2] =	dma.local @!p0 [hbm:s0], s1  }
0x128: {  	s0 =	simm.s32 @!p0 $0x1  }
0x129: {  	_ =	swait.ge @!p0 [sflag:s0], s1  }
0x12a: {  	s1 =	ssub.s32 @!p0 $0x0, s1;
	[sflag:s0] =	ssyncset.done @!p0 $0x0  }
0x12b: {  	[sflag:s0] =	ssyncadd.s32 @!p0 s1  }
0x12c: {  	[bflag:$0x3] =	sbarrier.arrive $0xFFFF  }
0x12d: {  	_ =	shalt  }

// kernel: kernel.9.cloned.1.call-start
scs
__scs_entry_jumppad:
0x0: {  	(pc) =	sbr.rel $0x88, $3  }
0x1: {  	(tag) =	ssettag $0x0;
	lr =	simm.s32 $0x1  }
0x2: {  	[smem:$0x3F9D] =	sst lr;
	_ =	strace $0xD0000000  }
0x3: {  	_ = 	snop  }
0x4: {  	_ = 	snop  }
0x5: {  	_ = 	snop  }
0x6: {  	_ = 	snop  }
0x7: {  	_ = 	snop  }
__scs_overlays_trampoline_lowered:
0x8: {  	[smem:$0x3FAC] =	sst s0  }
0x9: {  	[smem:$0x3FAD] =	sst s1  }
0xa: {  	[smem:$0x3FAE] =	sst s2  }
0xb: {  	[smem:$0x3FAF] =	sst s3  }
0xc: {  	[smem:$0x3FB0] =	sst s4  }
0xd: {  	[smem:$0x3FB1] =	sst s5  }
0xe: {  	[smem:$0x3FB2] =	sst s6  }
0xf: {  	[smem:$0x3FB3] =	sst s7  }
0x10: {  	[smem:$0x3FB4] =	sst s8  }
0x11: {  	[smem:$0x3FB5] =	sst s9;
	s0 =	simm.s32 @!p0 $0x0  }
0x12: {  	s1 =	sld [smem:$0x3F9B];
	s0 =	simm.s32 @p0 $0x1  }
0x13: {  	[smem:$0x3FB6] =	sst s0;
	s0 =	simm.s32 @!p1 $0x0  }
0x14: {  	s2 =	sld [smem:$0x3F9A];
	s0 =	simm.s32 @p1 $0x1  }
0x15: {  	[smem:$0x3FB7] =	sst s0;
	s0 =	simm.s32 @!p2 $0x0  }
0x16: {  	s3 =	sld [smem:$0x3FDB];
	s0 =	simm.s32 @p2 $0x1  }
0x17: {  	s4 =	simm.s32 $0x1BF5;
	[smem:$0x3FB9] =	sst s0  }
0x18: {  	s0 =	sld [smem:$0x3F9C];
	_ =	swait.ge [sflag:s4], $0x0  }
0x19: {  	s7 =	sld [smem:$0x3F9D]  }
0x1a: {  	s8 =	sadd.s32 $0xFFFFE003, lr  }
0x1b: {  	s9 =	sadd.s32 $0xFFFFFEF7, lr;
	s5 =	simm.s32 $0xFFFFFFFF;
	p2 =	slt.u32 s8, $0xFFFFF086  }
0x1c: {  	p1 =	slt.u32 s9, $0xF7A;
	s5 =	simm.s32 @!p2 $0x0  }
0x1d: {  	s5 =	simm.s32 @p1 $0x1;
	p0 =	seq.s32 s7, s2  }
0x1e: {  	s7 =	smul.u32 @!p0 $0xF7A, s2;
	p2 =	seq.s32 @!p0 s5, $0x0  }
0x1f: {  	s9 =	smul.u32 $0xF7A, s1;
	s8 =	simm.s32 @!p0 $0x1BF5;
	p2 =	por !p2, p0  }
0x20: {  	[sflag:s8] =	ssyncset.s32 @!p0 $0xFFFFF086;
	s6 =	sadd.s32 @!p0 s3, s7;
	s7 =	simm.s32 @!p0 $0x108  }
0x21: {  	s3 =	sadd.s32 s3, s9;
	s6 =	sadd.s32 @!p0 $0x88, s6;
	s7 =	simm.s32 @p2 $0x1082  }
0x22: {  	[simem:s7], [sflag:s8] =	dma.local @!p0 [hbm:s6], $0xF7A  }
0x23: {  	s9 =	sor.u32 $0xD0000000, s2;
	s6 =	simm.s32 $0x108;
	_ =	swait.ge @!p0 [sflag:s8], $0x0  }
0x24: {  	s3 =	sadd.s32 $0x88, s3;
	s6 =	simm.s32 @!p1 $0x1082;
	[sflag:s4] =	ssyncset.s32 $0xFFFFF086  }
0x25: {  	[simem:s6], [sflag:s4] =	dma.local [hbm:s3], $0xF7A  }
0x26: {  	[smem:$0x3F9D] =	sst s1;
	(tag) =	ssettag s2;
	_ =	strace s9  }
0x27: {  	s1 =	sld [smem:$0x3FAD]  }
0x28: {  	s2 =	sld [smem:$0x3FAE]  }
0x29: {  	s4 =	sld [smem:$0x3FB0]  }
0x2a: {  	p0 =	seq.s32 s5, $0x0;
	s5 =	sld [smem:$0x3FB1]  }
0x2b: {  	s6 =	sld [smem:$0x3FB2]  }
0x2c: {  	s7 =	sld [smem:$0x3FB3]  }
0x2d: {  	s3 =	simm.s32 $0x108;
	s8 =	sld [smem:$0x3FB4]  }
0x2e: {  	s3 =	simm.s32 @!p0 $0x1082;
	s9 =	sld [smem:$0x3FB5]  }
0x2f: {  	lr =	sadd.s32 s0, s3;
	s0 =	sld [smem:$0x3FAC]  }
0x30: {  	s3 =	sld [smem:$0x3FAF]  }
0x31: {  	[smem:$0x3FB8] =	sst s10  }
0x32: {  	s10 =	sld [smem:$0x3FB6];
	_ =	sdelay $0x3  }
0x33: {  	p0 =	seq.s32 s10, $0x1;
	s10 =	sld [smem:$0x3FB8];
	_ =	sdelay $0x3  }
0x34: {  	[smem:$0x3FB8] =	sst s10  }
0x35: {  	s10 =	sld [smem:$0x3FB7];
	_ =	sdelay $0x3  }
0x36: {  	p1 =	seq.s32 s10, $0x1;
	s10 =	sld [smem:$0x3FB8];
	_ =	sdelay $0x3  }
0x37: {  	[smem:$0x3FB8] =	sst s10  }
0x38: {  	s10 =	sld [smem:$0x3FB9]  }
0x39: {  	_ = 	snop;
	(pc) =	sbr.ind lr, $3  }
0x3a: {  	_ = 	snop  }
0x3b: {  	_ = 	snop  }
0x3c: {  	p2 =	seq.s32 s10, $0x1;
	s10 =	sld [smem:$0x3FB8]  }
0x3d: {  	_ =	shalt  }
0x3e: {  	_ =	shalt  }
0x3f: {  	_ =	shalt  }
0x40: {  	_ =	shalt  }
0x41: {  	_ =	shalt  }
0x42: {  	_ =	shalt  }
0x43: {  	_ =	shalt  }
0x44: {  	_ =	shalt  }
0x45: {  	_ =	shalt  }
0x46: {  	_ =	shalt  }
0x47: {  	_ =	shalt  }
0x48: {  	_ =	shalt  }
0x49: {  	_ =	shalt  }
0x4a: {  	_ =	shalt  }
0x4b: {  	_ =	shalt  }
0x4c: {  	_ =	shalt  }
0x4d: {  	_ =	shalt  }
0x4e: {  	_ =	shalt  }
0x4f: {  	_ =	shalt  }
0x50: {  	_ =	shalt  }
0x51: {  	_ =	shalt  }
0x52: {  	_ =	shalt  }
0x53: {  	_ =	shalt  }
0x54: {  	_ =	shalt  }
0x55: {  	_ =	shalt  }
0x56: {  	_ =	shalt  }
0x57: {  	_ =	shalt  }
0x58: {  	_ =	shalt  }
0x59: {  	_ =	shalt  }
0x5a: {  	_ =	shalt  }
0x5b: {  	_ =	shalt  }
0x5c: {  	_ =	shalt  }
0x5d: {  	_ =	shalt  }
0x5e: {  	_ =	shalt  }
0x5f: {  	_ =	shalt  }
0x60: {  	_ =	shalt  }
0x61: {  	_ =	shalt  }
0x62: {  	_ =	shalt  }
0x63: {  	_ =	shalt  }
0x64: {  	_ =	shalt  }
0x65: {  	_ =	shalt  }
0x66: {  	_ =	shalt  }
0x67: {  	_ =	shalt  }
0x68: {  	_ =	shalt  }
0x69: {  	_ =	shalt  }
0x6a: {  	_ =	shalt  }
0x6b: {  	_ =	shalt  }
0x6c: {  	_ =	shalt  }
0x6d: {  	_ =	shalt  }
0x6e: {  	_ =	shalt  }
0x6f: {  	_ =	shalt  }
0x70: {  	_ =	shalt  }
0x71: {  	_ =	shalt  }
0x72: {  	_ =	shalt  }
0x73: {  	_ =	shalt  }
0x74: {  	_ =	shalt  }
0x75: {  	_ =	shalt  }
0x76: {  	_ =	shalt  }
0x77: {  	_ =	shalt  }
0x78: {  	_ =	shalt  }
0x79: {  	_ =	shalt  }
0x7a: {  	_ =	shalt  }
0x7b: {  	_ =	shalt  }
0x7c: {  	_ =	shalt  }
0x7d: {  	_ =	shalt  }
0x7e: {  	_ =	shalt  }
0x7f: {  	_ =	shalt  }
0x80: {  	_ =	shalt  }
0x81: {  	_ =	shalt  }
0x82: {  	_ =	shalt  }
0x83: {  	_ =	shalt  }
0x84: {  	_ =	shalt  }
0x85: {  	_ =	shalt  }
0x86: {  	_ =	shalt  }
0x87: {  	_ =	shalt  }
.Lfunc_end0:
.L_simem_size_0:
called_computation.1_lowered:
.L_overlay_start_0:
0x88: {  	s2 =	sld [smem:$0x3FD9]  }
0x89: {  	s3 =	sld [smem:$0x3FFE];
	_ =	sdelay $0x1  }
0x8a: {  	s1 =	srdreg.scid  }
0x8b: {  	s0 =	sand.u32 $0x1, s1  }
0x8c: {  	s17 =	sshll.u32 s0, $0xA;
	s2 =	sadd.s32 s3, s2  }
0x8d: {  	s2 =	sadd.s32 s2, s17  }
0x8e: {  	[smem:$0x3FC4] =	sst s2  }
0x8f: {  	_ = 	snop  }
0x90: {  	s2 =	sld [smem:$0x3FD0];
	(tm) =	ssettm $0x1  }
0x91: {  	s18 =	sld [smem:$0x3FFB];
	_ =	sdelay $0x3  }
0x92: {  	_ =	strace s18  }
0x93: {  	s3 =	sld [smem:$0x3FFC];
	_ =	sdelay $0x3  }
0x94: {  	_ =	strace s3  }
0x95: {  	s3 =	sld [smem:$0x3FFD];
	_ =	sdelay $0x3  }
0x96: {  	_ =	strace s3  }
0x97: {  	_ =	strace $0x8FFFFFFF  }
0x98: {  	s19 =	sld [smem:$0x3FDB];
	_ =	sdelay $0x1  }
0x99: {  	s4 =	simm.s32 $_scs_section_size  }
0x9a: {  	s5 =	simm.s32 $_size__tile_overlayer_lowered;
	s6 =	simm.s32 $_tile_overlayer_lowered  }
0x9b: {  	s22 =	simm.s32 $0x1BFF;
	s21 =	sshll.u32 s6, $0x1;
	s3 =	sadd.s32 s4, s19  }
0x9c: {  	s7 =	simm.s32 $0x0;
	s20 =	sshll.u32 s5, $0x1;
	s5 =	sadd.s32 s21, s3  }
0x9d: {  	[timem:s7], [sflag:s22] =	dma.local [hbm:s5], s20  }
0x9e: {  	_ =	swait.ge [sflag:s22], s20  }
0x9f: {  	s4 =	ssub.s32 $0x0, s20;
	[sflag:s22] =	ssyncset.done $0x0  }
0xa0: {  	[sflag:s22] =	ssyncadd.s32 s4;
	_ =	sdelay $0x1  }
0xa1: {  	s23 =	simm.s32 $0x1B8B  }
0xa2: {  	_ =	swait.ge [sflag:s23], $0x1  }
0xa3: {  	[sflag:s23] =	ssyncset.done $0x0  }
0xa4: {  	s25 =	simm.s32 $0x1B8E;
	s24 =	sld [smem:$0x3FFE];
	[sflag:s23] =	ssyncadd.s32 $0xFFFFFFFF  }
0xa5: {  	s26 =	simm.s32 $execute0_lowered;
	[smem:$0x3FD2] =	sst s25  }
0xa6: {  	s5 =	sshll.u32 s26, $0x1;
	_ =	strace $0x80000049;
	[dreg:$0x1] =	wrdreg $0xFFFFFFFF  }
0xa7: {  	s28 =	simm.s32 $_size_execute0_lowered;
	s3 =	sadd.s32 s3, s5;
	[dreg:$0x0] =	wrdreg $0x0  }
0xa8: {  	s5 =	sshll.u32 s28, $0x1;
	[dreg:$0x2] =	wrdreg s3  }
0xa9: {  	[dreg:$0x3] =	wrdreg s5  }
0xaa: {  	[dreg:$0x4] =	wrdreg $0xC0  }
0xab: {  	_ =	task [dreg:s7], $0x5FFFF  }
0xac: {  	[dreg:$0x1] =	wrdreg $0xFFFFFFFF  }
0xad: {  	[dreg:$0x0] =	wrdreg $0x60  }
0xae: {  	[dreg:$0x2] =	wrdreg s24  }
0xaf: {  	[dreg:$0x3] =	wrdreg s2  }
0xb0: {  	[dreg:$0x4] =	wrdreg $0xA8000  }
0xb1: {  	[dreg:$0x5] =	wrdreg $0x9  }
0xb2: {  	_ =	task.clear_ibuf [dreg:s7], $0x6FFFF;
	_ =	strace $0x90000049  }
0xb3: {  	s29 =	simm.s32 $0x9;
	_ =	strace $0x8000004B  }
0xb4: {  	_ =	swait.ge [sflag:s29], $0x1  }
0xb5: {  	[sflag:s29] =	ssyncadd.s32 $0xFFFFFFFF  }
0xb6: {  	_ =	strace $0x9000004B  }
0xb7: {  	_ =	sfence  }
0xb8: {  	s30 =	sld [smem:$0x0];
	_ =	sdelay $0x2  }
0xb9: {  	s31 =	sshll.u32 s1, $0xD;
	s1 =	sshrl.u32 s1, $0x2  }
0xba: {  	s3 =	sand.u32 $0x4000, s31;
	s1 =	sadd.s32 s1, s30  }
0xbb: {  	s0 =	sor.u32 s3, s0;
	s1 =	sshll.u32 s1, $0x11  }
0xbc: {  	s0 =	sor.u32 s1, s0  }
0xbd: {  	s0 =	sadd.s32 $0x8F2B, s0  }
0xbe: {  	[sflag:s0] =	ssyncadd.remote.s32 $0x1  }
0xbf: {  	_ =	sfence.sel $0xFFFF  }
0xc0: {  	[dreg:$0x0] =	wrdreg $0xFFFFFFFF;
	(pc) =	sbr.abs _section_cstart, $3  }
0xc1: {  	[dreg:$0x1] =	wrdreg $0xFFFFFFFF  }
0xc2: {  	_ =	task.clear_ibuf [dreg:s7], $0x2FFFF;
	_ =	strace $0x9FFFFFFF  }
0xc3: {  	(tm) =	ssettm $0x7FFFFFFF  }
tec
execute0_lowered:
.L_overlay_start_1:
0x0: {  	(tag) =	ssettag $0x1  }
0x1: {  	s4 =	rddreg [dreg:$0x0]  }
0x2: {  	s6 =	rddreg [dreg:$0x1]  }
0x3: {  	s1 =	rddreg [dreg:$0x2]  }
0x4: {  	s0 =	rddreg [dreg:$0x3];
	s3 =	simm.s32 $0x0;
	s5 =	srdreg.scid  }
0x5: {  	s2 =	stileid.u32;
	s19 =	simm.s32 $0x80;
	s20 =	simm.s32 $0x2800  }
0x6: {  	s21 =	simm.s32 $0x6800;
	s22 =	simm.s32 $0x1;
	s23 =	simm.s32 $0x2  }
0x7: {  	s24 =	simm.s32 $0x2700;
	[smem:$0x7FF] =	sst s3;
	s8 =	smul.u32 $0x4F000, s2  }
0x8: {  	s7 =	sadd.s32 $0x5800, s4;
	s5 =	sand.u32 $0x1, s5;
	s13 =	smul.u32 $0x2780, s2  }
0x9: {  	s9 =	sadd.s32 $0x800, s4;
	s12 =	sadd.s32 $0xA800, s4;
	s28 =	smul.u32 $0x2800, s2  }
0xa: {  	s17 =	sadd.s32 $0x128400, s1;
	s30 =	smul.u32 $0x13C00, s2;
	p0 =	seq.s32 s2, $0xF  }
0xb: {  	_ =	strace $0x8000004A;
	s10 =	ssub.s32 $0x2, s5;
	s11 =	smul.u32 $0x27100, s5  }
0xc: {  	s29 =	smul.u32 $0x138800, s5;
	s25 =	sshrl.u32 s10, $0x1;
	s26 =	sshrl.u32 s8, $0x2  }
0xd: {  	s8 =	sshrl.u32 s28, $0x3;
	s14 =	ssub.s32 s10, s25;
	s16 =	sadd.s32 s26, s1  }
0xe: {  	s15 =	sadd.s32 s6, s11;
	s4 =	sadd.s32 s7, s8;
	s5 =	sadd.s32 s9, s8  }
0xf: {  	s18 =	sshrl.u32 s29, $0x3;
	s8 =	sadd.s32 $0x280, s8;
	s10 =	sadd.s32 s30, s29  }
0x10: {  	s25 =	simm.s32 $0x2780;
	s26 =	simm.s32 $0x0;
	s6 =	sadd.s32 s6, s18  }
0x11: {  	s7 =	sadd.s32 s7, s8;
	s10 =	sshrl.u32 s10, $0x3;
	s31 =	sadd.s32 s12, s18  }
0x12: {  	s8 =	sadd.s32 s9, s8;
	s11 =	smax.u32 s14, $0x1;
	s14 =	sshrl.u32 @p0 s17, $0x3  }
0x13: {  	s16 =	sshrl.u32 @!p0 s16, $0x3;
	s17 =	simm.s32 $0x3;
	s9 =	sadd.s32 s12, s10  }
0x14: {  	s12 =	sadd.s32 s13, s15;
	s13 =	sadd.s32 $0x25080, s15;
	s15 =	sshll.u32 @!p0 s2, $0x6  }
0x15: {  	s18 =	simm.s32 $0x1400;
	s10 =	sadd.s32 $0x25080, s31;
	s15 =	sor.u32 @!p0 $0x1C03, s15  }
.LBB2_1:
0x16: {  	s28 =	simm.s32 @p0 $0x1FC3  }
0x17: {  	[spmem:s14], [sflag:s28] =	dma.local @p0 [hbm:s13], $0x2080  }
0x18: {  	s28 =	simm.s32 @p0 $0x3  }
0x19: {  	_ =	swait.ge @p0 [sflag:s28], $0x2080  }
0x1a: {  	[sflag:s28] =	ssyncset.done @p0 $0x0  }
0x1b: {  	[sflag:s28] =	ssyncadd.s32 @p0 $0xFFFFDF80;
	s28 =	simm.s32 @!p0 $0x3  }
0x1c: {  	[spmem:s16], [sflag:s15] =	dma.local @!p0 [hbm:s12], $0x2780  }
0x1d: {  	_ =	swait.ge @!p0 [sflag:s28], $0x2780  }
0x1e: {  	[sflag:s28] =	ssyncset.done @!p0 $0x0  }
0x1f: {  	[sflag:s28] =	ssyncadd.s32 @!p0 $0xFFFFD880  }
0x20: {  	[tilespmem:s3], [sflag:$0x3] =	stream.linear.gather [hbm4b:s4+s3], $0x1400, $0x38;
	[tilespmem:$0x1E400] =	vst v63  }
0x21: {  	_ =	swait.ge [sflag:s17], $0x1400  }
0x22: {  	[sflag:s17] =	ssyncset.done $0x0  }
0x23: {  	[sflag:s17] =	ssyncadd.s32 $0xFFFFEC00  }
0x24: {  	[tilespmem:s18], [sflag:$0x3] =	stream.linear.gather [hbm4b:s5+s3], $0x1400, $0x38;
	[tilespmem:$0x1E400] =	vst v63  }
0x25: {  	_ =	swait.ge [sflag:s17], $0x1400  }
0x26: {  	[sflag:s17] =	ssyncset.done $0x0  }
0x27: {  	[sflag:s17] =	ssyncadd.s32 $0xFFFFEC00  }
0x28: {  	[tilespmem:s20], [sflag:$0x1] =	stream.indirect.gather [hbm4b:s6+s19], $0x80, s3, s19, $0xb8;
	[tilespmem:$0x1E400] =	vst v63  }
0x29: {  	_ = 	snop  }
0x2a: {  	[tilespmem:s21], [sflag:$0x2] =	stream.indirect.gather [hbm4b:s6+s19], $0x80, s19, s19, $0xb8;
	[tilespmem:$0x1E400] =	vst v63  }
0x2b: {  	[bflag:$0x0] =	sbarrier.arrive $0xFFFF  }
0x2c: {  	_ =	swait.ge [sflag:s22], $0x4000  }
0x2d: {  	[sflag:s22] =	ssyncset.done $0x0  }
0x2e: {  	s28 =	simm.s32 $0x1400;
	[sflag:s22] =	ssyncadd.s32 $0xFFFFC000  }
0x2f: {  	[spmem:s1] =	stream.indirect.scatter.add.f32 [tilespmem:s20], [sflag:$0x3], $0x80, s28, s19, $0xb8;
	[tilespmem:$0x1E400] =	vst v63  }
0x30: {  	_ =	swait.ge [sflag:s17], $0x4000  }
0x31: {  	[sflag:s17] =	ssyncset.done $0x0  }
0x32: {  	s28 =	simm.s32 $0x100;
	[sflag:s17] =	ssyncadd.s32 $0xFFFFC000  }
0x33: {  	[tilespmem:s20], [sflag:$0x1] =	stream.indirect.gather [hbm4b:s6+s19], $0x80, s28, s19, $0xb8;
	[tilespmem:$0x1E400] =	vst v63  }
0x34: {  	_ =	swait.ge [sflag:s23], $0x4000  }
0x35: {  	[sflag:s23] =	ssyncset.done $0x0  }
0x36: {  	s28 =	simm.s32 $0x1480;
	[sflag:s23] =	ssyncadd.s32 $0xFFFFC000  }
0x37: {  	[spmem:s1] =	stream.indirect.scatter.add.f32 [tilespmem:s21], [sflag:$0x3], $0x80, s28, s19, $0xb8;
	[tilespmem:$0x1E400] =	vst v63  }
0x38: {  	_ =	swait.ge [sflag:s17], $0x4000  }
0x39: {  	[sflag:s17] =	ssyncset.done $0x0  }
0x3a: {  	s29 =	simm.s32 $0x180;
	s28 =	simm.s32 $0x400;
	[sflag:s17] =	ssyncadd.s32 $0xFFFFC000  }
.LBB2_2:
0x3b: {  	[tilespmem:s21], [sflag:$0x2] =	stream.indirect.gather [hbm4b:s6+s19], $0x80, s29, s19, $0xb8;
	[tilespmem:$0x1E400] =	vst v63  }
0x3c: {  	s29 =	smov.u32 s28  }
0x3d: {  	p1 =	sne.s32 s28, $0x4800;
	s28 =	sadd.s32 $0x400, s28;
	_ =	swait.ge [sflag:s22], $0x4000  }
0x3e: {  	s29 =	sshra.s32 s29, $0x2;
	[sflag:s22] =	ssyncset.done $0x0  }
0x3f: {  	s30 =	sadd.s32 $0x1400, s29;
	[sflag:s22] =	ssyncadd.s32 $0xFFFFC000  }
0x40: {  	[spmem:s1] =	stream.indirect.scatter.add.f32 [tilespmem:s20], [sflag:$0x3], $0x80, s30, s19, $0xb8;
	[tilespmem:$0x1E400] =	vst v63  }
0x41: {  	_ =	swait.ge [sflag:s17], $0x4000  }
0x42: {  	[sflag:s17] =	ssyncset.done $0x0  }
0x43: {  	s30 =	sadd.s32 $0x100, s29;
	[sflag:s17] =	ssyncadd.s32 $0xFFFFC000  }
0x44: {  	[tilespmem:s20], [sflag:$0x1] =	stream.indirect.gather [hbm4b:s6+s19], $0x80, s30, s19, $0xb8;
	[tilespmem:$0x1E400] =	vst v63  }
0x45: {  	_ =	swait.ge [sflag:s23], $0x4000  }
0x46: {  	[sflag:s23] =	ssyncset.done $0x0  }
.Ltmp0:
0x47: {  	s30 =	sadd.s32 $0x1480, s29;
	[sflag:s23] =	ssyncadd.s32 $0xFFFFC000;
	(pc) =	sbr.rel @p1 .LBB2_2-.Ltmp0, $4  }
0x48: {  	[spmem:s1] =	stream.indirect.scatter.add.f32 [tilespmem:s21], [sflag:$0x3], $0x80, s30, s19, $0xb8;
	[tilespmem:$0x1E400] =	vst v63  }
0x49: {  	_ =	swait.ge [sflag:s17], $0x4000  }
0x4a: {  	[sflag:s17] =	ssyncset.done $0x0  }
0x4b: {  	s29 =	sadd.s32 $0x180, s29;
	[sflag:s17] =	ssyncadd.s32 $0xFFFFC000  }
0x4c: {  	[tilespmem:s21], [sflag:$0x2] =	stream.indirect.gather [hbm4b:s6+s19], $0x80, s29, s19, $0xb8;
	[tilespmem:$0x1E400] =	vst v63  }
0x4d: {  	_ =	swait.ge [sflag:s22], $0x4000  }
0x4e: {  	[sflag:s22] =	ssyncset.done $0x0  }
0x4f: {  	[sflag:s22] =	ssyncadd.s32 $0xFFFFC000  }
0x50: {  	[spmem:s1] =	stream.indirect.scatter.add.f32 [tilespmem:s20], [sflag:$0x3], $0x80, s24, s19, $0xb8;
	[tilespmem:$0x1E400] =	vst v63  }
0x51: {  	_ =	swait.ge [sflag:s17], $0x4000  }
0x52: {  	[sflag:s17] =	ssyncset.done $0x0  }
0x53: {  	[sflag:s17] =	ssyncadd.s32 $0xFFFFC000  }
0x54: {  	_ =	swait.ge [sflag:s23], $0x4000  }
0x55: {  	[sflag:s23] =	ssyncset.done $0x0  }
0x56: {  	[sflag:s23] =	ssyncadd.s32 $0xFFFFC000  }
0x57: {  	[spmem:s1] =	stream.indirect.scatter.add.f32 [tilespmem:s21], [sflag:$0x3], $0x80, s25, s19, $0xb8;
	[tilespmem:$0x1E400] =	vst v63  }
0x58: {  	_ =	swait.ge [sflag:s17], $0x4000  }
0x59: {  	[sflag:s17] =	ssyncset.done $0x0  }
0x5a: {  	s28 =	simm.s32 $0x0;
	[sflag:s17] =	ssyncadd.s32 $0xFFFFC000  }
0x5b: {  	[tilespmem:s28], [sflag:$0x3] =	stream.linear.gather [hbm4b:s7+s28], $0x1400, $0x38;
	[tilespmem:$0x1E400] =	vst v63  }
0x5c: {  	_ =	swait.ge [sflag:s17], $0x1400  }
0x5d: {  	[sflag:s17] =	ssyncset.done $0x0  }
0x5e: {  	[sflag:s17] =	ssyncadd.s32 $0xFFFFEC00  }
0x5f: {  	[tilespmem:s18], [sflag:$0x3] =	stream.linear.gather [hbm4b:s8+s28], $0x1400, $0x38;
	[tilespmem:$0x1E400] =	vst v63  }
0x60: {  	_ =	swait.ge [sflag:s17], $0x1400  }
0x61: {  	[sflag:s17] =	ssyncset.done $0x0  }
0x62: {  	[sflag:s17] =	ssyncadd.s32 $0xFFFFEC00  }
0x63: {  	[tilespmem:s20], [sflag:$0x1] =	stream.indirect.gather [hbm4b:s6+s19], $0x80, s28, s19, $0xb8;
	[tilespmem:$0x1E400] =	vst v63  }
0x64: {  	_ = 	snop  }
0x65: {  	[tilespmem:s21], [sflag:$0x2] =	stream.indirect.gather [hbm4b:s6+s19], $0x80, s19, s19, $0xb8;
	[tilespmem:$0x1E400] =	vst v63  }
0x66: {  	_ =	swait.ge [sflag:s22], $0x4000  }
0x67: {  	[sflag:s22] =	ssyncset.done $0x0  }
0x68: {  	s28 =	simm.s32 $0x1400;
	[sflag:s22] =	ssyncadd.s32 $0xFFFFC000  }
0x69: {  	[spmem:s1] =	stream.indirect.scatter.add.f32 [tilespmem:s20], [sflag:$0x3], $0x80, s28, s19, $0xb8;
	[tilespmem:$0x1E400] =	vst v63  }
0x6a: {  	_ =	swait.ge [sflag:s17], $0x4000  }
0x6b: {  	[sflag:s17] =	ssyncset.done $0x0  }
0x6c: {  	s28 =	simm.s32 $0x100;
	[sflag:s17] =	ssyncadd.s32 $0xFFFFC000  }
0x6d: {  	[tilespmem:s20], [sflag:$0x1] =	stream.indirect.gather [hbm4b:s6+s19], $0x80, s28, s19, $0xb8;
	[tilespmem:$0x1E400] =	vst v63  }
0x6e: {  	_ =	swait.ge [sflag:s23], $0x4000  }
0x6f: {  	[sflag:s23] =	ssyncset.done $0x0  }
0x70: {  	s28 =	simm.s32 $0x1480;
	[sflag:s23] =	ssyncadd.s32 $0xFFFFC000  }
0x71: {  	[spmem:s1] =	stream.indirect.scatter.add.f32 [tilespmem:s21], [sflag:$0x3], $0x80, s28, s19, $0xb8;
	[tilespmem:$0x1E400] =	vst v63  }
0x72: {  	_ =	swait.ge [sflag:s17], $0x4000  }
0x73: {  	[sflag:s17] =	ssyncset.done $0x0  }
0x74: {  	s29 =	simm.s32 $0x180;
	s28 =	simm.s32 $0x400;
	[sflag:s17] =	ssyncadd.s32 $0xFFFFC000  }
.LBB2_4:
0x75: {  	[tilespmem:s21], [sflag:$0x2] =	stream.indirect.gather [hbm4b:s6+s19], $0x80, s29, s19, $0xb8;
	[tilespmem:$0x1E400] =	vst v63  }
0x76: {  	s29 =	smov.u32 s28  }
0x77: {  	p1 =	sne.s32 s28, $0x4800;
	s28 =	sadd.s32 $0x400, s28;
	_ =	swait.ge [sflag:s22], $0x4000  }
0x78: {  	s29 =	sshra.s32 s29, $0x2;
	[sflag:s22] =	ssyncset.done $0x0  }
0x79: {  	s30 =	sadd.s32 $0x1400, s29;
	[sflag:s22] =	ssyncadd.s32 $0xFFFFC000  }
0x7a: {  	[spmem:s1] =	stream.indirect.scatter.add.f32 [tilespmem:s20], [sflag:$0x3], $0x80, s30, s19, $0xb8;
	[tilespmem:$0x1E400] =	vst v63  }
0x7b: {  	_ =	swait.ge [sflag:s17], $0x4000  }
0x7c: {  	[sflag:s17] =	ssyncset.done $0x0  }
0x7d: {  	s30 =	sadd.s32 $0x100, s29;
	[sflag:s17] =	ssyncadd.s32 $0xFFFFC000  }
0x7e: {  	[tilespmem:s20], [sflag:$0x1] =	stream.indirect.gather [hbm4b:s6+s19], $0x80, s30, s19, $0xb8;
	[tilespmem:$0x1E400] =	vst v63  }
0x7f: {  	_ =	swait.ge [sflag:s23], $0x4000  }
0x80: {  	[sflag:s23] =	ssyncset.done $0x0  }
.Ltmp1:
0x81: {  	s30 =	sadd.s32 $0x1480, s29;
	[sflag:s23] =	ssyncadd.s32 $0xFFFFC000;
	(pc) =	sbr.rel @p1 .LBB2_4-.Ltmp1, $4  }
0x82: {  	[spmem:s1] =	stream.indirect.scatter.add.f32 [tilespmem:s21], [sflag:$0x3], $0x80, s30, s19, $0xb8;
	[tilespmem:$0x1E400] =	vst v63  }
0x83: {  	_ =	swait.ge [sflag:s17], $0x4000  }
0x84: {  	[sflag:s17] =	ssyncset.done $0x0  }
0x85: {  	s29 =	sadd.s32 $0x180, s29;
	[sflag:s17] =	ssyncadd.s32 $0xFFFFC000  }
0x86: {  	[tilespmem:s21], [sflag:$0x2] =	stream.indirect.gather [hbm4b:s6+s19], $0x80, s29, s19, $0xb8;
	[tilespmem:$0x1E400] =	vst v63  }
0x87: {  	_ =	swait.ge [sflag:s22], $0x4000  }
0x88: {  	[sflag:s22] =	ssyncset.done $0x0  }
0x89: {  	[sflag:s22] =	ssyncadd.s32 $0xFFFFC000  }
0x8a: {  	[spmem:s1] =	stream.indirect.scatter.add.f32 [tilespmem:s20], [sflag:$0x3], $0x80, s24, s19, $0xb8;
	[tilespmem:$0x1E400] =	vst v63  }
0x8b: {  	_ =	swait.ge [sflag:s17], $0x4000  }
0x8c: {  	[sflag:s17] =	ssyncset.done $0x0  }
0x8d: {  	[sflag:s17] =	ssyncadd.s32 $0xFFFFC000  }
0x8e: {  	_ =	swait.ge [sflag:s23], $0x4000  }
0x8f: {  	[sflag:s23] =	ssyncset.done $0x0  }
0x90: {  	[sflag:s23] =	ssyncadd.s32 $0xFFFFC000  }
0x91: {  	[spmem:s1] =	stream.indirect.scatter.add.f32 [tilespmem:s21], [sflag:$0x3], $0x80, s25, s19, $0xb8;
	[tilespmem:$0x1E400] =	vst v63  }
0x92: {  	_ =	swait.ge [sflag:s17], $0x4000  }
0x93: {  	[sflag:s17] =	ssyncset.done $0x0  }
0x94: {  	[sflag:s17] =	ssyncadd.s32 $0xFFFFC000  }
0x95: {  	s28 =	simm.s32 @p0 $0x1FC3;
	[bflag:$0x0] =	sbarrier.arrive $0xFFFF  }
0x96: {  	[hbm:s10], [sflag:s28] =	dma.local @p0 [spmem:s14], $0x2080  }
0x97: {  	s28 =	simm.s32 @p0 $0x3  }
0x98: {  	s26 =	sadd.s32 $0x1, s26;
	_ =	swait.ge @p0 [sflag:s28], $0x2080  }
0x99: {  	p1 =	sne.s32 s26, s11;
	[sflag:s28] =	ssyncset.done @p0 $0x0  }
.Ltmp2:
0x9a: {  	[sflag:s28] =	ssyncadd.s32 @p0 $0xFFFFDF80;
	s28 =	simm.s32 @!p0 $0x3;
	(pc) =	sbr.rel @p1 .LBB2_1-.Ltmp2, $4  }
0x9b: {  	[hbm:s9], [sflag:s15] =	dma.local @!p0 [spmem:s16], $0x2780  }
0x9c: {  	_ =	swait.ge @!p0 [sflag:s28], $0x2780  }
0x9d: {  	[sflag:s28] =	ssyncset.done @!p0 $0x0  }
0x9e: {  	[sflag:s28] =	ssyncadd.s32 @!p0 $0xFFFFD880  }
0x9f: {  	_ =	sfence.sel $0x180000  }
0xa0: {  	[bflag:$0x0] =	sbarrier.arrive $0xFFFF  }
0xa1: {  	p0 =	sne.s32 s2, $0x0;
	_ =	strace $0x9000004A  }
0xa2: {  	s0 =	sadd.s32 @!p0 $0x100000, s0;
	[bflag:$0x2] =	sbarrier.arrive $0xFFFF  }
0xa3: {  	[sflag:s0] =	ssyncadd.tile.s32 @!p0 $0x1;
	_ =	shalt  }
.Lfunc_end2:
_tile_overlayer_lowered:
.L_overlay_start_2:
0xa4: {  	(tag) =	ssettag $0x2  }
0xa5: {  	s0 =	rddreg [dreg:$0x0];
	s2 =	stileid.u32  }
0xa6: {  	s1 =	rddreg [dreg:$0x1];
	p0 =	sne.s32 s2, $0x0  }
0xa7: {  	s3 =	rddreg [dreg:$0x2];
	[bflag:$0x3] =	sbarrier.arrive $0xFFFF;
	s2 =	simm.s32 @!p0 $0x1C03  }
0xa8: {  	[timem:s3], [sflag:s2] =	dma.local @!p0 [hbm:s0], s1  }
0xa9: {  	s0 =	simm.s32 @!p0 $0x3  }
0xaa: {  	_ =	swait.ge @!p0 [sflag:s0], s1  }
0xab: {  	s1 =	ssub.s32 @!p0 $0x0, s1;
	[sflag:s0] =	ssyncset.done @!p0 $0x0  }
0xac: {  	[sflag:s0] =	ssyncadd.s32 @!p0 s1  }
0xad: {  	[bflag:$0x3] =	sbarrier.arrive $0xFFFF  }
0xae: {  	_ =	shalt  }

</sc_bundles>
